<compile_context>
chip_gen: v7x
topology: tpu7x:2x2x1
jax: 0.10.2.dev20260603
libtpu: 0.0.44.dev20260713+nightly
codegen_flags: <defaults>
</compile_context>

<pallas_src>
import functools

import jax
import jax.numpy as jnp
from jax import lax
from jax.experimental import pallas as pl
from jax.experimental.pallas import tpu as pltpu
from jax.experimental.pallas import tpu_sc as plsc

NC = 2
NS = 16
NW = NC * NS

CH = 32


def kernel(inputs, table):
    B, H = inputs.shape
    V, D = table.shape
    RB = D // 8
    CB = B // 128
    rows_per_w = B // NW
    n_chunks = rows_per_w // CH
    mesh = plsc.VectorSubcoreMesh(core_axis_name="c", subcore_axis_name="s")

    @functools.partial(
        pl.kernel,
        out_type=jax.ShapeDtypeStruct((H, RB, CB, 8, 128), jnp.float32),
        mesh=mesh,
        scratch_types=[
            pltpu.VMEM((CH, H), jnp.int32),
            pltpu.VMEM((CH, H, D), jnp.float32),
            pltpu.VMEM((H, RB, 8, CH + 1), jnp.float32),
            pltpu.SemaphoreType.DMA,
            pltpu.SemaphoreType.DMA,
        ],
        compiler_params=pltpu.CompilerParams(
            use_tc_tiling_on_sc=False, needs_layout_passes=False
        ),
    )
    def k(table_hbm, idx_hbm, out_hbm, idx_v, rows_v, buf2, sem, wsem):
        wid = lax.axis_index("s") * NC + lax.axis_index("c")
        row_base = wid * rows_per_w
        iota = lax.iota(jnp.int32, 16)
        irb0 = iota // 8
        irb2 = irb0 + 2
        irr = iota % 8

        b_pro = pl.multiple_of(row_base, CH)
        pltpu.sync_copy(idx_hbm.at[pl.ds(b_pro, CH)], idx_v)

        @pl.loop(0, CH)
        def _fire0(r):
            pltpu.async_copy(table_hbm.at[idx_v.at[r]], rows_v.at[r], sem)

        @pl.loop(0, n_chunks)
        def _chunk(i):
            b0 = pl.multiple_of(row_base + i * CH, CH)

            @pl.loop(0, CH)
            def _drain(r):
                pltpu.make_async_copy(table_hbm.at[idx_v.at[r]], rows_v.at[r], sem).wait()

            cb_ = lax.div(b0, 128)
            cc0_ = pl.multiple_of(lax.rem(b0, 128), CH)

            for half in range(2):
                h0 = half * (H // 2)

                @pl.loop(0, CH)
                def _b(b, h0=h0):
                    ibb = jnp.full((16,), b, jnp.int32)

                    @pl.loop(h0, h0 + H // 2, unroll=5)
                    def _h(h, ibb=ibb):
                        ih = jnp.full((16,), h, jnp.int32)
                        x0 = rows_v[b, h, pl.ds(0, 16)]
                        x1 = rows_v[b, h, pl.ds(16, 16)]
                        plsc.store_scatter(buf2, [ih, irb0, irr, ibb], x0)
                        plsc.store_scatter(buf2, [ih, irb2, irr, ibb], x1)

                pltpu.async_copy(
                    buf2.at[pl.ds(h0, H // 2), :, :, pl.ds(0, CH)],
                    out_hbm.at[pl.ds(h0, H // 2), :, cb_, :, pl.ds(cc0_, CH)],
                    wsem,
                )

            @pl.when(i < n_chunks - 1)
            def _():
                b1 = pl.multiple_of(row_base + (i + 1) * CH, CH)
                pltpu.sync_copy(idx_hbm.at[pl.ds(b1, CH)], idx_v)

                @pl.loop(0, CH)
                def _fire(r):
                    pltpu.async_copy(table_hbm.at[idx_v.at[r]], rows_v.at[r], sem)

            for half in range(2):
                h0 = half * (H // 2)
                pltpu.make_async_copy(
                    buf2.at[pl.ds(h0, H // 2), :, :, pl.ds(0, CH)],
                    out_hbm.at[pl.ds(h0, H // 2), :, cb_, :, pl.ds(cc0_, CH)],
                    wsem,
                ).wait()

    out5 = k(table, inputs)
    return out5.transpose(2, 4, 0, 1, 3).reshape(B, H, D)

# --- scband reference (transcript-rebuilt; emitter-appended) ---
"""Pipeline reference for scband-keys-28570122453208 (READ-ONLY COPY).

The authoritative reference and input builder live on the scoring server;
editing this copy changes nothing except your own understanding.
"""

import jax, jax.numpy as jnp
import numpy as np

VOCAB = 1000000
DIM_KEY = 32
BATCH = 16384
HIST = 50

def setup_inputs(seed: int = 0) -> dict:
    key = jax.random.key(seed)
    k_idx, k_tab = jax.random.split(key)
    inputs = jax.random.randint(k_idx, (BATCH, HIST), 0, VOCAB, dtype=jnp.int64 if jax.config.jax_enable_x64 else jnp.int32)
    table = jax.random.normal(k_tab, (VOCAB, DIM_KEY), dtype=jnp.float32) * 0.02
    return {"inputs": inputs, "table": table}

def reference(inputs, table):
    # Embedding lookup: keys = Embedding(vocab, dimKey)(inputs)
    keys = jnp.take(table, inputs, axis=0)
    return keys

if __name__ == "__main__":
    import jax
    _d = setup_inputs()
    print(jax.jit(kernel)(*tuple(_d.values())))

</pallas_src>

<mosaic_0001>
#map = affine_map<(d0, d1) -> (0, 0)>
#map1 = affine_map<(d0, d1) -> (0, 0, 0, 0, 0)>
module attributes {stable_mosaic.version = 14 : i64} {
  func.func @k(%arg0: i32, %arg1: i32, %arg2: memref<1000000x32xf32, #tpu.memory_space<hbm>>, %arg3: memref<16384x50xi32, #tpu.memory_space<hbm>>, %arg4: memref<50x4x128x8x128xf32, #tpu.memory_space<hbm>>, %arg5: memref<32x50xi32, #tpu.memory_space<vmem>>, %arg6: memref<32x50x32xf32, #tpu.memory_space<vmem>>, %arg7: memref<50x4x8x33xf32, #tpu.memory_space<vmem>>, %arg8: memref<!tpu.dma_semaphore, #tpu.memory_space<semaphore_mem>>, %arg9: memref<!tpu.dma_semaphore, #tpu.memory_space<semaphore_mem>>) attributes {dimension_semantics = [#tpu.dimension_semantics<core_parallel>, #tpu.dimension_semantics<subcore_parallel>], iteration_bounds = array<i64: 2, 16>, scalar_prefetch = 0 : i64, scratch_operands = 5 : i64, tpu.core_type = #tpu.core_type<sc_vector_subcore>, window_params = [{transform_indices = #map}, {transform_indices = #map}, {transform_indices = #map1}]} {
    %mul3A = arith.constant 2 : i32
    %mul3A_0 = arith.muli %arg1, %mul3A : i32
    %add3A = arith.addi %mul3A_0, %arg0 : i32
    %mul3A_1 = arith.constant 512 : i32
    %mul3A_2 = arith.muli %add3A, %mul3A_1 : i32
    %iota3A = tpu.iota {dimensions = array<i32: 0>} : vector<16xi32>
    %jit3A = arith.constant 8 : i32
    %div3A = vector.broadcast %jit3A : i32 to vector<16xi32>
    %div3A_3 = arith.divsi %iota3A, %div3A : vector<16xi32>
    %sign3A = arith.constant 0 : i32
    %sign3A_4 = vector.broadcast %sign3A : i32 to vector<16xi32>
    %sign3A_5 = arith.cmpi sgt, %iota3A, %sign3A_4 : vector<16xi32>
    %sign3A_6 = arith.extui %sign3A_5 : vector<16xi1> to vector<16xi32>
    %sign3A_7 = arith.constant 0 : i32
    %sign3A_8 = vector.broadcast %sign3A_7 : i32 to vector<16xi32>
    %sign3A_9 = arith.cmpi slt, %iota3A, %sign3A_8 : vector<16xi32>
    %sign3A_10 = arith.extui %sign3A_9 : vector<16xi1> to vector<16xi32>
    %sign3A_11 = arith.subi %sign3A_6, %sign3A_10 : vector<16xi32>
    %sign3A_12 = arith.constant 0 : i32
    %sign3A_13 = arith.cmpi sgt, %jit3A, %sign3A_12 : i32
    %sign3A_14 = arith.extui %sign3A_13 : i1 to i32
    %sign3A_15 = arith.constant 0 : i32
    %sign3A_16 = arith.cmpi slt, %jit3A, %sign3A_15 : i32
    %sign3A_17 = arith.extui %sign3A_16 : i1 to i32
    %sign3A_18 = arith.subi %sign3A_14, %sign3A_17 : i32
    %ne3A = vector.broadcast %sign3A_18 : i32 to vector<16xi32>
    %ne3A_19 = arith.cmpi ne, %sign3A_11, %ne3A : vector<16xi32>
    %rem3A = vector.broadcast %jit3A : i32 to vector<16xi32>
    %rem3A_20 = arith.remsi %iota3A, %rem3A : vector<16xi32>
    %ne3A_21 = arith.constant 0 : i32
    %ne3A_22 = vector.broadcast %ne3A_21 : i32 to vector<16xi32>
    %ne3A_23 = arith.cmpi ne, %rem3A_20, %ne3A_22 : vector<16xi32>
    %and3A = arith.andi %ne3A_19, %ne3A_23 : vector<16xi1>
    %sub3A = arith.constant 1 : i32
    %sub3A_24 = vector.broadcast %sub3A : i32 to vector<16xi32>
    %sub3A_25 = arith.subi %div3A_3, %sub3A_24 : vector<16xi32>
    %select_n3A = arith.select %and3A, %sub3A_25, %div3A_3 : vector<16xi1>, vector<16xi32>
    %add3A_26 = arith.constant 2 : i32
    %add3A_27 = vector.broadcast %add3A_26 : i32 to vector<16xi32>
    %add3A_28 = arith.addi %select_n3A, %add3A_27 : vector<16xi32>
    %jit3A_29 = arith.constant 8 : i32
    %eq3A = arith.constant 0 : i32
    %eq3A_30 = arith.cmpi eq, %jit3A_29, %eq3A : i32
    %jit3A_31 = arith.constant 1 : i32
    %select_n3A_32 = arith.select %eq3A_30, %jit3A_31, %jit3A_29 : i32
    %rem3A_33 = vector.broadcast %select_n3A_32 : i32 to vector<16xi32>
    %rem3A_34 = arith.remsi %iota3A, %rem3A_33 : vector<16xi32>
    %ne3A_35 = arith.constant 0 : i32
    %ne3A_36 = vector.broadcast %ne3A_35 : i32 to vector<16xi32>
    %ne3A_37 = arith.cmpi ne, %rem3A_34, %ne3A_36 : vector<16xi32>
    %lt3A = arith.constant 0 : i32
    %lt3A_38 = vector.broadcast %lt3A : i32 to vector<16xi32>
    %lt3A_39 = arith.cmpi slt, %rem3A_34, %lt3A_38 : vector<16xi32>
    %lt3A_40 = arith.constant 0 : i32
    %lt3A_41 = arith.cmpi slt, %select_n3A_32, %lt3A_40 : i32
    %ne3A_42 = vector.broadcast %lt3A_41 : i1 to vector<16xi1>
    %ne3A_43 = vector.broadcast %ne3A_42 : vector<16xi1> to vector<16xi1>
    %ne3A_44 = arith.xori %lt3A_39, %ne3A_43 : vector<16xi1>
    %and3A_45 = arith.andi %ne3A_44, %ne3A_37 : vector<16xi1>
    %add3A_46 = vector.broadcast %select_n3A_32 : i32 to vector<16xi32>
    %add3A_47 = arith.addi %rem3A_34, %add3A_46 : vector<16xi32>
    %select_n3A_48 = arith.select %and3A_45, %add3A_47, %rem3A_34 : vector<16xi1>, vector<16xi32>
    %multiple_of3A = tpu.assume_multiple %mul3A_2, 32 : i32
    "tpu.region"() ({
      %run_scoped3A = tpu.sem_alloc : memref<!tpu.dma_semaphore, #tpu.memory_space<semaphore_mem>>
      %dma_start3A = arith.constant 0 : i32
      %dma_start3A_58 = tpu.memref_slice %arg3[%multiple_of3A, %dma_start3A] : memref<16384x50xi32, #tpu.memory_space<hbm>> -> memref<32x50xi32, #tpu.memory_space<hbm>>
      %dma_start3A_59 = arith.constant 0 : i32
      %dma_start3A_60 = tpu.memref_slice %arg3[%multiple_of3A, %dma_start3A_59] : memref<16384x50xi32, #tpu.memory_space<hbm>> -> memref<32x50xi32, #tpu.memory_space<hbm>>
      tpu.enqueue_dma source(%dma_start3A_60 : memref<32x50xi32, #tpu.memory_space<hbm>>) target(%arg5 : memref<32x50xi32, #tpu.memory_space<vmem>>) target_semaphore(%run_scoped3A : memref<!tpu.dma_semaphore, #tpu.memory_space<semaphore_mem>>)
      %dma_wait3A = arith.constant 0 : i32
      %dma_wait3A_61 = tpu.memref_slice %arg3[%multiple_of3A, %dma_wait3A] : memref<16384x50xi32, #tpu.memory_space<hbm>> -> memref<32x50xi32, #tpu.memory_space<hbm>>
      %dma_wait3A_62 = arith.constant 0 : i32
      %dma_wait3A_63 = tpu.memref_slice %arg3[%multiple_of3A, %dma_wait3A_62] : memref<16384x50xi32, #tpu.memory_space<hbm>> -> memref<32x50xi32, #tpu.memory_space<hbm>>
      tpu.wait_dma2 semaphore(%run_scoped3A : memref<!tpu.dma_semaphore, #tpu.memory_space<semaphore_mem>>) src(%dma_wait3A_63 : memref<32x50xi32, #tpu.memory_space<hbm>>) dst(%arg5 : memref<32x50xi32, #tpu.memory_space<vmem>>)
      tpu.yield
    }) : () -> ()
    %scan3A = arith.constant 0 : i32
    %scan3A_49 = arith.constant 32 : i32
    %scan3A_50 = arith.addi %scan3A, %scan3A_49 : i32
    %scan3A_51 = arith.constant 1 : i32
    scf.for %scan3A_58 = %scan3A to %scan3A_50 step %scan3A_51  : i32 {
      %mul3A_59 = arith.constant 1 : i32
      %mul3A_60 = arith.muli %scan3A_58, %mul3A_59 : i32
      %add3A_61 = arith.constant 0 : i32
      %add3A_62 = arith.addi %add3A_61, %mul3A_60 : i32
      %dma_start3A = arith.constant 0 : i32
      %dma_start3A_63 = arith.constant 0 : i32
      %dma_start3A_64 = tpu.memref_slice %arg6[%add3A_62, %dma_start3A, %dma_start3A_63] : memref<32x50x32xf32, #tpu.memory_space<vmem>> -> memref<1x50x32xf32, #tpu.memory_space<vmem>>
      %dma_start3A_65 = tpu.memref_squeeze %dma_start3A_64 : memref<1x50x32xf32, #tpu.memory_space<vmem>> -> memref<50x32xf32, #tpu.memory_space<vmem>>
      %dma_start3A_66 = arith.constant 0 : i32
      %dma_start3A_67 = tpu.memref_slice %arg5[%add3A_62, %dma_start3A_66] : memref<32x50xi32, #tpu.memory_space<vmem>> -> memref<1x50xi32, #tpu.memory_space<vmem>>
      %dma_start3A_68 = tpu.memref_squeeze %dma_start3A_67 : memref<1x50xi32, #tpu.memory_space<vmem>> -> memref<50xi32, #tpu.memory_space<vmem>>
      %dma_start3A_69 = arith.constant 0 : i32
      %dma_start3A_70 = arith.constant 0 : i32
      %dma_start3A_71 = tpu.memref_slice %arg2[%dma_start3A_69, %dma_start3A_70] : memref<1000000x32xf32, #tpu.memory_space<hbm>> -> memref<1000000x32xf32, #tpu.memory_space<hbm>>
      tpu.enqueue_indirect_dma source(%dma_start3A_71 : memref<1000000x32xf32, #tpu.memory_space<hbm>>) target(%dma_start3A_65 : memref<50x32xf32, #tpu.memory_space<vmem>>) offsets(%dma_start3A_68 : memref<50xi32, #tpu.memory_space<vmem>>) semaphore(%arg8 : memref<!tpu.dma_semaphore, #tpu.memory_space<semaphore_mem>>)
    }
    %scan3A_52 = arith.constant 32 : i32
    %scan3A_53 = arith.constant 0 : i32
    %scan3A_54 = arith.constant 16 : i32
    %scan3A_55 = arith.addi %scan3A_53, %scan3A_54 : i32
    %scan3A_56 = arith.constant 1 : i32
    scf.for %scan3A_58 = %scan3A_53 to %scan3A_55 step %scan3A_56  : i32 {
      %mul3A_59 = arith.constant 1 : i32
      %mul3A_60 = arith.muli %scan3A_58, %mul3A_59 : i32
      %add3A_61 = arith.constant 0 : i32
      %add3A_62 = arith.addi %add3A_61, %mul3A_60 : i32
      %mul3A_63 = arith.constant 32 : i32
      %mul3A_64 = arith.muli %add3A_62, %mul3A_63 : i32
      %add3A_65 = arith.addi %mul3A_2, %mul3A_64 : i32
      %multiple_of3A_66 = tpu.assume_multiple %add3A_65, 32 : i32
      %scan3A_67 = arith.constant 0 : i32
      %scan3A_68 = arith.constant 32 : i32
      %scan3A_69 = arith.addi %scan3A_67, %scan3A_68 : i32
      %scan3A_70 = arith.constant 1 : i32
      scf.for %scan3A_168 = %scan3A_67 to %scan3A_69 step %scan3A_70  : i32 {
        %mul3A_169 = arith.constant 1 : i32
        %mul3A_170 = arith.muli %scan3A_168, %mul3A_169 : i32
        %add3A_171 = arith.constant 0 : i32
        %add3A_172 = arith.addi %add3A_171, %mul3A_170 : i32
        %dma_wait3A_173 = arith.constant 0 : i32
        %dma_wait3A_174 = arith.constant 0 : i32
        %dma_wait3A_175 = tpu.memref_slice %arg6[%add3A_172, %dma_wait3A_173, %dma_wait3A_174] : memref<32x50x32xf32, #tpu.memory_space<vmem>> -> memref<1x50x32xf32, #tpu.memory_space<vmem>>
        %dma_wait3A_176 = tpu.memref_squeeze %dma_wait3A_175 : memref<1x50x32xf32, #tpu.memory_space<vmem>> -> memref<50x32xf32, #tpu.memory_space<vmem>>
        %dma_wait3A_177 = arith.constant 0 : i32
        %dma_wait3A_178 = tpu.memref_slice %arg5[%add3A_172, %dma_wait3A_177] : memref<32x50xi32, #tpu.memory_space<vmem>> -> memref<1x50xi32, #tpu.memory_space<vmem>>
        %dma_wait3A_179 = tpu.memref_squeeze %dma_wait3A_178 : memref<1x50xi32, #tpu.memory_space<vmem>> -> memref<50xi32, #tpu.memory_space<vmem>>
        %dma_wait3A_180 = arith.constant 0 : i32
        %dma_wait3A_181 = arith.constant 0 : i32
        %dma_wait3A_182 = tpu.memref_slice %arg2[%dma_wait3A_180, %dma_wait3A_181] : memref<1000000x32xf32, #tpu.memory_space<hbm>> -> memref<1000000x32xf32, #tpu.memory_space<hbm>>
        tpu.wait_indirect_dma semaphore(%arg8 : memref<!tpu.dma_semaphore, #tpu.memory_space<semaphore_mem>>) src(%dma_wait3A_182 : memref<1000000x32xf32, #tpu.memory_space<hbm>>) dst(%dma_wait3A_176 : memref<50x32xf32, #tpu.memory_space<vmem>>)
      }
      %scan3A_71 = arith.constant 32 : i32
      %div3A_72 = arith.constant 128 : i32
      %div3A_73 = arith.divsi %multiple_of3A_66, %div3A_72 : i32
      %rem3A_74 = arith.constant 128 : i32
      %rem3A_75 = arith.remsi %multiple_of3A_66, %rem3A_74 : i32
      %multiple_of3A_76 = tpu.assume_multiple %rem3A_75, 32 : i32
      %scan3A_77 = arith.constant 0 : i32
      %scan3A_78 = arith.constant 32 : i32
      %scan3A_79 = arith.addi %scan3A_77, %scan3A_78 : i32
      %scan3A_80 = arith.constant 1 : i32
      scf.for %scan3A_168 = %scan3A_77 to %scan3A_79 step %scan3A_80  : i32 {
        %mul3A_169 = arith.constant 1 : i32
        %mul3A_170 = arith.muli %scan3A_168, %mul3A_169 : i32
        %add3A_171 = arith.constant 0 : i32
        %add3A_172 = arith.addi %add3A_171, %mul3A_170 : i32
        %broadcast_in_dim3A = vector.broadcast %add3A_172 : i32 to vector<16xi32>
        %scan3A_173 = arith.constant 0 : i32
        %scan3A_174 = arith.constant 25 : i32
        %scan3A_175 = arith.addi %scan3A_173, %scan3A_174 : i32
        %scan3A_176 = arith.constant 5 : i32
        scf.for %scan3A_178 = %scan3A_173 to %scan3A_175 step %scan3A_176  : i32 {
          %mul3A_179 = arith.constant 1 : i32
          %mul3A_180 = arith.muli %scan3A_178, %mul3A_179 : i32
          %add3A_181 = arith.constant 0 : i32
          %add3A_182 = arith.addi %add3A_181, %mul3A_180 : i32
          %broadcast_in_dim3A_183 = vector.broadcast %add3A_182 : i32 to vector<16xi32>
          %get3A = arith.index_cast %add3A_172 : i32 to index
          %get3A_184 = arith.index_cast %add3A_182 : i32 to index
          %get3A_185 = arith.constant 0 : index
          %get3A_186 = tpu.vector_load %arg6[%get3A, %get3A_184, %get3A_185] {strides = array<i32>} : memref<32x50x32xf32, #tpu.memory_space<vmem>>, vector<16xf32>,
          %get3A_187 = arith.index_cast %add3A_172 : i32 to index
          %get3A_188 = arith.index_cast %add3A_182 : i32 to index
          %get3A_189 = arith.constant 16 : index
          %get3A_190 = tpu.vector_load %arg6[%get3A_187, %get3A_188, %get3A_189] {strides = array<i32>} : memref<32x50x32xf32, #tpu.memory_space<vmem>>, vector<16xf32>,
          tpu.vector_store_idx %arg7[%broadcast_in_dim3A_183, %select_n3A, %select_n3A_48, %broadcast_in_dim3A], %get3A_186 : memref<50x4x8x33xf32, #tpu.memory_space<vmem>>[vector<16xi32>, vector<16xi32>, vector<16xi32>, vector<16xi32>], vector<16xf32>,
          tpu.vector_store_idx %arg7[%broadcast_in_dim3A_183, %add3A_28, %select_n3A_48, %broadcast_in_dim3A], %get3A_190 : memref<50x4x8x33xf32, #tpu.memory_space<vmem>>[vector<16xi32>, vector<16xi32>, vector<16xi32>, vector<16xi32>], vector<16xf32>,
          %scan3A_191 = arith.constant 1 : i32
          %scan3A_192 = arith.addi %scan3A_178, %scan3A_191 : i32
          %mul3A_193 = arith.constant 1 : i32
          %mul3A_194 = arith.muli %scan3A_192, %mul3A_193 : i32
          %add3A_195 = arith.constant 0 : i32
          %add3A_196 = arith.addi %add3A_195, %mul3A_194 : i32
          %broadcast_in_dim3A_197 = vector.broadcast %add3A_196 : i32 to vector<16xi32>
          %get3A_198 = arith.index_cast %add3A_172 : i32 to index
          %get3A_199 = arith.index_cast %add3A_196 : i32 to index
          %get3A_200 = arith.constant 0 : index
          %get3A_201 = tpu.vector_load %arg6[%get3A_198, %get3A_199, %get3A_200] {strides = array<i32>} : memref<32x50x32xf32, #tpu.memory_space<vmem>>, vector<16xf32>,
          %get3A_202 = arith.index_cast %add3A_172 : i32 to index
          %get3A_203 = arith.index_cast %add3A_196 : i32 to index
          %get3A_204 = arith.constant 16 : index
          %get3A_205 = tpu.vector_load %arg6[%get3A_202, %get3A_203, %get3A_204] {strides = array<i32>} : memref<32x50x32xf32, #tpu.memory_space<vmem>>, vector<16xf32>,
          tpu.vector_store_idx %arg7[%broadcast_in_dim3A_197, %select_n3A, %select_n3A_48, %broadcast_in_dim3A], %get3A_201 : memref<50x4x8x33xf32, #tpu.memory_space<vmem>>[vector<16xi32>, vector<16xi32>, vector<16xi32>, vector<16xi32>], vector<16xf32>,
          tpu.vector_store_idx %arg7[%broadcast_in_dim3A_197, %add3A_28, %select_n3A_48, %broadcast_in_dim3A], %get3A_205 : memref<50x4x8x33xf32, #tpu.memory_space<vmem>>[vector<16xi32>, vector<16xi32>, vector<16xi32>, vector<16xi32>], vector<16xf32>,
          %scan3A_206 = arith.constant 2 : i32
          %scan3A_207 = arith.addi %scan3A_178, %scan3A_206 : i32
          %mul3A_208 = arith.constant 1 : i32
          %mul3A_209 = arith.muli %scan3A_207, %mul3A_208 : i32
          %add3A_210 = arith.constant 0 : i32
          %add3A_211 = arith.addi %add3A_210, %mul3A_209 : i32
          %broadcast_in_dim3A_212 = vector.broadcast %add3A_211 : i32 to vector<16xi32>
          %get3A_213 = arith.index_cast %add3A_172 : i32 to index
          %get3A_214 = arith.index_cast %add3A_211 : i32 to index
          %get3A_215 = arith.constant 0 : index
          %get3A_216 = tpu.vector_load %arg6[%get3A_213, %get3A_214, %get3A_215] {strides = array<i32>} : memref<32x50x32xf32, #tpu.memory_space<vmem>>, vector<16xf32>,
          %get3A_217 = arith.index_cast %add3A_172 : i32 to index
          %get3A_218 = arith.index_cast %add3A_211 : i32 to index
          %get3A_219 = arith.constant 16 : index
          %get3A_220 = tpu.vector_load %arg6[%get3A_217, %get3A_218, %get3A_219] {strides = array<i32>} : memref<32x50x32xf32, #tpu.memory_space<vmem>>, vector<16xf32>,
          tpu.vector_store_idx %arg7[%broadcast_in_dim3A_212, %select_n3A, %select_n3A_48, %broadcast_in_dim3A], %get3A_216 : memref<50x4x8x33xf32, #tpu.memory_space<vmem>>[vector<16xi32>, vector<16xi32>, vector<16xi32>, vector<16xi32>], vector<16xf32>,
          tpu.vector_store_idx %arg7[%broadcast_in_dim3A_212, %add3A_28, %select_n3A_48, %broadcast_in_dim3A], %get3A_220 : memref<50x4x8x33xf32, #tpu.memory_space<vmem>>[vector<16xi32>, vector<16xi32>, vector<16xi32>, vector<16xi32>], vector<16xf32>,
          %scan3A_221 = arith.constant 3 : i32
          %scan3A_222 = arith.addi %scan3A_178, %scan3A_221 : i32
          %mul3A_223 = arith.constant 1 : i32
          %mul3A_224 = arith.muli %scan3A_222, %mul3A_223 : i32
          %add3A_225 = arith.constant 0 : i32
          %add3A_226 = arith.addi %add3A_225, %mul3A_224 : i32
          %broadcast_in_dim3A_227 = vector.broadcast %add3A_226 : i32 to vector<16xi32>
          %get3A_228 = arith.index_cast %add3A_172 : i32 to index
          %get3A_229 = arith.index_cast %add3A_226 : i32 to index
          %get3A_230 = arith.constant 0 : index
          %get3A_231 = tpu.vector_load %arg6[%get3A_228, %get3A_229, %get3A_230] {strides = array<i32>} : memref<32x50x32xf32, #tpu.memory_space<vmem>>, vector<16xf32>,
          %get3A_232 = arith.index_cast %add3A_172 : i32 to index
          %get3A_233 = arith.index_cast %add3A_226 : i32 to index
          %get3A_234 = arith.constant 16 : index
          %get3A_235 = tpu.vector_load %arg6[%get3A_232, %get3A_233, %get3A_234] {strides = array<i32>} : memref<32x50x32xf32, #tpu.memory_space<vmem>>, vector<16xf32>,
          tpu.vector_store_idx %arg7[%broadcast_in_dim3A_227, %select_n3A, %select_n3A_48, %broadcast_in_dim3A], %get3A_231 : memref<50x4x8x33xf32, #tpu.memory_space<vmem>>[vector<16xi32>, vector<16xi32>, vector<16xi32>, vector<16xi32>], vector<16xf32>,
          tpu.vector_store_idx %arg7[%broadcast_in_dim3A_227, %add3A_28, %select_n3A_48, %broadcast_in_dim3A], %get3A_235 : memref<50x4x8x33xf32, #tpu.memory_space<vmem>>[vector<16xi32>, vector<16xi32>, vector<16xi32>, vector<16xi32>], vector<16xf32>,
          %scan3A_236 = arith.constant 4 : i32
          %scan3A_237 = arith.addi %scan3A_178, %scan3A_236 : i32
          %mul3A_238 = arith.constant 1 : i32
          %mul3A_239 = arith.muli %scan3A_237, %mul3A_238 : i32
          %add3A_240 = arith.constant 0 : i32
          %add3A_241 = arith.addi %add3A_240, %mul3A_239 : i32
          %broadcast_in_dim3A_242 = vector.broadcast %add3A_241 : i32 to vector<16xi32>
          %get3A_243 = arith.index_cast %add3A_172 : i32 to index
          %get3A_244 = arith.index_cast %add3A_241 : i32 to index
          %get3A_245 = arith.constant 0 : index
          %get3A_246 = tpu.vector_load %arg6[%get3A_243, %get3A_244, %get3A_245] {strides = array<i32>} : memref<32x50x32xf32, #tpu.memory_space<vmem>>, vector<16xf32>,
          %get3A_247 = arith.index_cast %add3A_172 : i32 to index
          %get3A_248 = arith.index_cast %add3A_241 : i32 to index
          %get3A_249 = arith.constant 16 : index
          %get3A_250 = tpu.vector_load %arg6[%get3A_247, %get3A_248, %get3A_249] {strides = array<i32>} : memref<32x50x32xf32, #tpu.memory_space<vmem>>, vector<16xf32>,
          tpu.vector_store_idx %arg7[%broadcast_in_dim3A_242, %select_n3A, %select_n3A_48, %broadcast_in_dim3A], %get3A_246 : memref<50x4x8x33xf32, #tpu.memory_space<vmem>>[vector<16xi32>, vector<16xi32>, vector<16xi32>, vector<16xi32>], vector<16xf32>,
          tpu.vector_store_idx %arg7[%broadcast_in_dim3A_242, %add3A_28, %select_n3A_48, %broadcast_in_dim3A], %get3A_250 : memref<50x4x8x33xf32, #tpu.memory_space<vmem>>[vector<16xi32>, vector<16xi32>, vector<16xi32>, vector<16xi32>], vector<16xf32>,
        }
        %scan3A_177 = arith.constant 25 : i32
      }
      %scan3A_81 = arith.constant 32 : i32
      %dma_start3A = arith.constant 0 : i32
      %dma_start3A_82 = arith.constant 0 : i32
      %dma_start3A_83 = arith.constant 0 : i32
      %dma_start3A_84 = arith.constant 0 : i32
      %dma_start3A_85 = tpu.memref_slice %arg7[%dma_start3A, %dma_start3A_82, %dma_start3A_83, %dma_start3A_84] : memref<50x4x8x33xf32, #tpu.memory_space<vmem>> -> memref<25x4x8x32xf32, #tpu.memory_space<vmem>>
      %dma_start3A_86 = arith.constant 0 : i32
      %dma_start3A_87 = arith.constant 0 : i32
      %dma_start3A_88 = arith.constant 0 : i32
      %dma_start3A_89 = tpu.memref_slice %arg4[%dma_start3A_86, %dma_start3A_87, %div3A_73, %dma_start3A_88, %multiple_of3A_76] : memref<50x4x128x8x128xf32, #tpu.memory_space<hbm>> -> memref<25x4x1x8x32xf32, #tpu.memory_space<hbm>>
      %dma_start3A_90 = tpu.memref_squeeze %dma_start3A_89 : memref<25x4x1x8x32xf32, #tpu.memory_space<hbm>> -> memref<25x4x8x32xf32, #tpu.memory_space<hbm>>
      %dma_start3A_91 = arith.constant 0 : i32
      %dma_start3A_92 = arith.constant 0 : i32
      %dma_start3A_93 = arith.constant 0 : i32
      %dma_start3A_94 = tpu.memref_slice %arg4[%dma_start3A_91, %dma_start3A_92, %div3A_73, %dma_start3A_93, %multiple_of3A_76] : memref<50x4x128x8x128xf32, #tpu.memory_space<hbm>> -> memref<25x4x1x8x32xf32, #tpu.memory_space<hbm>>
      %dma_start3A_95 = tpu.memref_squeeze %dma_start3A_94 : memref<25x4x1x8x32xf32, #tpu.memory_space<hbm>> -> memref<25x4x8x32xf32, #tpu.memory_space<hbm>>
      %dma_start3A_96 = arith.constant 0 : i32
      %dma_start3A_97 = arith.constant 0 : i32
      %dma_start3A_98 = arith.constant 0 : i32
      %dma_start3A_99 = arith.constant 0 : i32
      %dma_start3A_100 = tpu.memref_slice %arg7[%dma_start3A_96, %dma_start3A_97, %dma_start3A_98, %dma_start3A_99] : memref<50x4x8x33xf32, #tpu.memory_space<vmem>> -> memref<25x4x8x32xf32, #tpu.memory_space<vmem>>
      tpu.enqueue_dma source(%dma_start3A_100 : memref<25x4x8x32xf32, #tpu.memory_space<vmem>>) target(%dma_start3A_95 : memref<25x4x8x32xf32, #tpu.memory_space<hbm>>) target_semaphore(%arg9 : memref<!tpu.dma_semaphore, #tpu.memory_space<semaphore_mem>>)
      %scan3A_101 = arith.constant 0 : i32
      %scan3A_102 = arith.constant 32 : i32
      %scan3A_103 = arith.addi %scan3A_101, %scan3A_102 : i32
      %scan3A_104 = arith.constant 1 : i32
      scf.for %scan3A_168 = %scan3A_101 to %scan3A_103 step %scan3A_104  : i32 {
        %mul3A_169 = arith.constant 1 : i32
        %mul3A_170 = arith.muli %scan3A_168, %mul3A_169 : i32
        %add3A_171 = arith.constant 0 : i32
        %add3A_172 = arith.addi %add3A_171, %mul3A_170 : i32
        %broadcast_in_dim3A = vector.broadcast %add3A_172 : i32 to vector<16xi32>
        %scan3A_173 = arith.constant 0 : i32
        %scan3A_174 = arith.constant 25 : i32
        %scan3A_175 = arith.addi %scan3A_173, %scan3A_174 : i32
        %scan3A_176 = arith.constant 5 : i32
        scf.for %scan3A_178 = %scan3A_173 to %scan3A_175 step %scan3A_176  : i32 {
          %mul3A_179 = arith.constant 1 : i32
          %mul3A_180 = arith.muli %scan3A_178, %mul3A_179 : i32
          %add3A_181 = arith.constant 25 : i32
          %add3A_182 = arith.addi %add3A_181, %mul3A_180 : i32
          %broadcast_in_dim3A_183 = vector.broadcast %add3A_182 : i32 to vector<16xi32>
          %get3A = arith.index_cast %add3A_172 : i32 to index
          %get3A_184 = arith.index_cast %add3A_182 : i32 to index
          %get3A_185 = arith.constant 0 : index
          %get3A_186 = tpu.vector_load %arg6[%get3A, %get3A_184, %get3A_185] {strides = array<i32>} : memref<32x50x32xf32, #tpu.memory_space<vmem>>, vector<16xf32>,
          %get3A_187 = arith.index_cast %add3A_172 : i32 to index
          %get3A_188 = arith.index_cast %add3A_182 : i32 to index
          %get3A_189 = arith.constant 16 : index
          %get3A_190 = tpu.vector_load %arg6[%get3A_187, %get3A_188, %get3A_189] {strides = array<i32>} : memref<32x50x32xf32, #tpu.memory_space<vmem>>, vector<16xf32>,
          tpu.vector_store_idx %arg7[%broadcast_in_dim3A_183, %select_n3A, %select_n3A_48, %broadcast_in_dim3A], %get3A_186 : memref<50x4x8x33xf32, #tpu.memory_space<vmem>>[vector<16xi32>, vector<16xi32>, vector<16xi32>, vector<16xi32>], vector<16xf32>,
          tpu.vector_store_idx %arg7[%broadcast_in_dim3A_183, %add3A_28, %select_n3A_48, %broadcast_in_dim3A], %get3A_190 : memref<50x4x8x33xf32, #tpu.memory_space<vmem>>[vector<16xi32>, vector<16xi32>, vector<16xi32>, vector<16xi32>], vector<16xf32>,
          %scan3A_191 = arith.constant 1 : i32
          %scan3A_192 = arith.addi %scan3A_178, %scan3A_191 : i32
          %mul3A_193 = arith.constant 1 : i32
          %mul3A_194 = arith.muli %scan3A_192, %mul3A_193 : i32
          %add3A_195 = arith.constant 25 : i32
          %add3A_196 = arith.addi %add3A_195, %mul3A_194 : i32
          %broadcast_in_dim3A_197 = vector.broadcast %add3A_196 : i32 to vector<16xi32>
          %get3A_198 = arith.index_cast %add3A_172 : i32 to index
          %get3A_199 = arith.index_cast %add3A_196 : i32 to index
          %get3A_200 = arith.constant 0 : index
          %get3A_201 = tpu.vector_load %arg6[%get3A_198, %get3A_199, %get3A_200] {strides = array<i32>} : memref<32x50x32xf32, #tpu.memory_space<vmem>>, vector<16xf32>,
          %get3A_202 = arith.index_cast %add3A_172 : i32 to index
          %get3A_203 = arith.index_cast %add3A_196 : i32 to index
          %get3A_204 = arith.constant 16 : index
          %get3A_205 = tpu.vector_load %arg6[%get3A_202, %get3A_203, %get3A_204] {strides = array<i32>} : memref<32x50x32xf32, #tpu.memory_space<vmem>>, vector<16xf32>,
          tpu.vector_store_idx %arg7[%broadcast_in_dim3A_197, %select_n3A, %select_n3A_48, %broadcast_in_dim3A], %get3A_201 : memref<50x4x8x33xf32, #tpu.memory_space<vmem>>[vector<16xi32>, vector<16xi32>, vector<16xi32>, vector<16xi32>], vector<16xf32>,
          tpu.vector_store_idx %arg7[%broadcast_in_dim3A_197, %add3A_28, %select_n3A_48, %broadcast_in_dim3A], %get3A_205 : memref<50x4x8x33xf32, #tpu.memory_space<vmem>>[vector<16xi32>, vector<16xi32>, vector<16xi32>, vector<16xi32>], vector<16xf32>,
          %scan3A_206 = arith.constant 2 : i32
          %scan3A_207 = arith.addi %scan3A_178, %scan3A_206 : i32
          %mul3A_208 = arith.constant 1 : i32
          %mul3A_209 = arith.muli %scan3A_207, %mul3A_208 : i32
          %add3A_210 = arith.constant 25 : i32
          %add3A_211 = arith.addi %add3A_210, %mul3A_209 : i32
          %broadcast_in_dim3A_212 = vector.broadcast %add3A_211 : i32 to vector<16xi32>
          %get3A_213 = arith.index_cast %add3A_172 : i32 to index
          %get3A_214 = arith.index_cast %add3A_211 : i32 to index
          %get3A_215 = arith.constant 0 : index
          %get3A_216 = tpu.vector_load %arg6[%get3A_213, %get3A_214, %get3A_215] {strides = array<i32>} : memref<32x50x32xf32, #tpu.memory_space<vmem>>, vector<16xf32>,
          %get3A_217 = arith.index_cast %add3A_172 : i32 to index
          %get3A_218 = arith.index_cast %add3A_211 : i32 to index
          %get3A_219 = arith.constant 16 : index
          %get3A_220 = tpu.vector_load %arg6[%get3A_217, %get3A_218, %get3A_219] {strides = array<i32>} : memref<32x50x32xf32, #tpu.memory_space<vmem>>, vector<16xf32>,
          tpu.vector_store_idx %arg7[%broadcast_in_dim3A_212, %select_n3A, %select_n3A_48, %broadcast_in_dim3A], %get3A_216 : memref<50x4x8x33xf32, #tpu.memory_space<vmem>>[vector<16xi32>, vector<16xi32>, vector<16xi32>, vector<16xi32>], vector<16xf32>,
          tpu.vector_store_idx %arg7[%broadcast_in_dim3A_212, %add3A_28, %select_n3A_48, %broadcast_in_dim3A], %get3A_220 : memref<50x4x8x33xf32, #tpu.memory_space<vmem>>[vector<16xi32>, vector<16xi32>, vector<16xi32>, vector<16xi32>], vector<16xf32>,
          %scan3A_221 = arith.constant 3 : i32
          %scan3A_222 = arith.addi %scan3A_178, %scan3A_221 : i32
          %mul3A_223 = arith.constant 1 : i32
          %mul3A_224 = arith.muli %scan3A_222, %mul3A_223 : i32
          %add3A_225 = arith.constant 25 : i32
          %add3A_226 = arith.addi %add3A_225, %mul3A_224 : i32
          %broadcast_in_dim3A_227 = vector.broadcast %add3A_226 : i32 to vector<16xi32>
          %get3A_228 = arith.index_cast %add3A_172 : i32 to index
          %get3A_229 = arith.index_cast %add3A_226 : i32 to index
          %get3A_230 = arith.constant 0 : index
          %get3A_231 = tpu.vector_load %arg6[%get3A_228, %get3A_229, %get3A_230] {strides = array<i32>} : memref<32x50x32xf32, #tpu.memory_space<vmem>>, vector<16xf32>,
          %get3A_232 = arith.index_cast %add3A_172 : i32 to index
          %get3A_233 = arith.index_cast %add3A_226 : i32 to index
          %get3A_234 = arith.constant 16 : index
          %get3A_235 = tpu.vector_load %arg6[%get3A_232, %get3A_233, %get3A_234] {strides = array<i32>} : memref<32x50x32xf32, #tpu.memory_space<vmem>>, vector<16xf32>,
          tpu.vector_store_idx %arg7[%broadcast_in_dim3A_227, %select_n3A, %select_n3A_48, %broadcast_in_dim3A], %get3A_231 : memref<50x4x8x33xf32, #tpu.memory_space<vmem>>[vector<16xi32>, vector<16xi32>, vector<16xi32>, vector<16xi32>], vector<16xf32>,
          tpu.vector_store_idx %arg7[%broadcast_in_dim3A_227, %add3A_28, %select_n3A_48, %broadcast_in_dim3A], %get3A_235 : memref<50x4x8x33xf32, #tpu.memory_space<vmem>>[vector<16xi32>, vector<16xi32>, vector<16xi32>, vector<16xi32>], vector<16xf32>,
          %scan3A_236 = arith.constant 4 : i32
          %scan3A_237 = arith.addi %scan3A_178, %scan3A_236 : i32
          %mul3A_238 = arith.constant 1 : i32
          %mul3A_239 = arith.muli %scan3A_237, %mul3A_238 : i32
          %add3A_240 = arith.constant 25 : i32
          %add3A_241 = arith.addi %add3A_240, %mul3A_239 : i32
          %broadcast_in_dim3A_242 = vector.broadcast %add3A_241 : i32 to vector<16xi32>
          %get3A_243 = arith.index_cast %add3A_172 : i32 to index
          %get3A_244 = arith.index_cast %add3A_241 : i32 to index
          %get3A_245 = arith.constant 0 : index
          %get3A_246 = tpu.vector_load %arg6[%get3A_243, %get3A_244, %get3A_245] {strides = array<i32>} : memref<32x50x32xf32, #tpu.memory_space<vmem>>, vector<16xf32>,
          %get3A_247 = arith.index_cast %add3A_172 : i32 to index
          %get3A_248 = arith.index_cast %add3A_241 : i32 to index
          %get3A_249 = arith.constant 16 : index
          %get3A_250 = tpu.vector_load %arg6[%get3A_247, %get3A_248, %get3A_249] {strides = array<i32>} : memref<32x50x32xf32, #tpu.memory_space<vmem>>, vector<16xf32>,
          tpu.vector_store_idx %arg7[%broadcast_in_dim3A_242, %select_n3A, %select_n3A_48, %broadcast_in_dim3A], %get3A_246 : memref<50x4x8x33xf32, #tpu.memory_space<vmem>>[vector<16xi32>, vector<16xi32>, vector<16xi32>, vector<16xi32>], vector<16xf32>,
          tpu.vector_store_idx %arg7[%broadcast_in_dim3A_242, %add3A_28, %select_n3A_48, %broadcast_in_dim3A], %get3A_250 : memref<50x4x8x33xf32, #tpu.memory_space<vmem>>[vector<16xi32>, vector<16xi32>, vector<16xi32>, vector<16xi32>], vector<16xf32>,
        }
        %scan3A_177 = arith.constant 25 : i32
      }
      %scan3A_105 = arith.constant 32 : i32
      %dma_start3A_106 = arith.constant 25 : i32
      %dma_start3A_107 = arith.constant 0 : i32
      %dma_start3A_108 = arith.constant 0 : i32
      %dma_start3A_109 = arith.constant 0 : i32
      %dma_start3A_110 = tpu.memref_slice %arg7[%dma_start3A_106, %dma_start3A_107, %dma_start3A_108, %dma_start3A_109] : memref<50x4x8x33xf32, #tpu.memory_space<vmem>> -> memref<25x4x8x32xf32, #tpu.memory_space<vmem>>
      %dma_start3A_111 = arith.constant 25 : i32
      %dma_start3A_112 = arith.constant 0 : i32
      %dma_start3A_113 = arith.constant 0 : i32
      %dma_start3A_114 = tpu.memref_slice %arg4[%dma_start3A_111, %dma_start3A_112, %div3A_73, %dma_start3A_113, %multiple_of3A_76] : memref<50x4x128x8x128xf32, #tpu.memory_space<hbm>> -> memref<25x4x1x8x32xf32, #tpu.memory_space<hbm>>
      %dma_start3A_115 = tpu.memref_squeeze %dma_start3A_114 : memref<25x4x1x8x32xf32, #tpu.memory_space<hbm>> -> memref<25x4x8x32xf32, #tpu.memory_space<hbm>>
      %dma_start3A_116 = arith.constant 25 : i32
      %dma_start3A_117 = arith.constant 0 : i32
      %dma_start3A_118 = arith.constant 0 : i32
      %dma_start3A_119 = tpu.memref_slice %arg4[%dma_start3A_116, %dma_start3A_117, %div3A_73, %dma_start3A_118, %multiple_of3A_76] : memref<50x4x128x8x128xf32, #tpu.memory_space<hbm>> -> memref<25x4x1x8x32xf32, #tpu.memory_space<hbm>>
      %dma_start3A_120 = tpu.memref_squeeze %dma_start3A_119 : memref<25x4x1x8x32xf32, #tpu.memory_space<hbm>> -> memref<25x4x8x32xf32, #tpu.memory_space<hbm>>
      %dma_start3A_121 = arith.constant 25 : i32
      %dma_start3A_122 = arith.constant 0 : i32
      %dma_start3A_123 = arith.constant 0 : i32
      %dma_start3A_124 = arith.constant 0 : i32
      %dma_start3A_125 = tpu.memref_slice %arg7[%dma_start3A_121, %dma_start3A_122, %dma_start3A_123, %dma_start3A_124] : memref<50x4x8x33xf32, #tpu.memory_space<vmem>> -> memref<25x4x8x32xf32, #tpu.memory_space<vmem>>
      tpu.enqueue_dma source(%dma_start3A_125 : memref<25x4x8x32xf32, #tpu.memory_space<vmem>>) target(%dma_start3A_120 : memref<25x4x8x32xf32, #tpu.memory_space<hbm>>) target_semaphore(%arg9 : memref<!tpu.dma_semaphore, #tpu.memory_space<semaphore_mem>>)
      %lt3A_126 = arith.constant 15 : i32
      %lt3A_127 = arith.cmpi slt, %add3A_62, %lt3A_126 : i32
      %convert_element_type3A = arith.extui %lt3A_127 : i1 to i32
      %cond3A = arith.constant 0 : i32
      %cond3A_128 = arith.cmpi ne, %convert_element_type3A, %cond3A : i32
      scf.if %cond3A_128 {
        %add3A_168 = arith.constant 1 : i32
        %add3A_169 = arith.addi %add3A_62, %add3A_168 : i32
        %mul3A_170 = arith.constant 32 : i32
        %mul3A_171 = arith.muli %add3A_169, %mul3A_170 : i32
        %add3A_172 = arith.addi %mul3A_2, %mul3A_171 : i32
        %multiple_of3A_173 = tpu.assume_multiple %add3A_172, 32 : i32
        "tpu.region"() ({
          %run_scoped3A = tpu.sem_alloc : memref<!tpu.dma_semaphore, #tpu.memory_space<semaphore_mem>>
          %dma_start3A_179 = arith.constant 0 : i32
          %dma_start3A_180 = tpu.memref_slice %arg3[%multiple_of3A_173, %dma_start3A_179] : memref<16384x50xi32, #tpu.memory_space<hbm>> -> memref<32x50xi32, #tpu.memory_space<hbm>>
          %dma_start3A_181 = arith.constant 0 : i32
          %dma_start3A_182 = tpu.memref_slice %arg3[%multiple_of3A_173, %dma_start3A_181] : memref<16384x50xi32, #tpu.memory_space<hbm>> -> memref<32x50xi32, #tpu.memory_space<hbm>>
          tpu.enqueue_dma source(%dma_start3A_182 : memref<32x50xi32, #tpu.memory_space<hbm>>) target(%arg5 : memref<32x50xi32, #tpu.memory_space<vmem>>) target_semaphore(%run_scoped3A : memref<!tpu.dma_semaphore, #tpu.memory_space<semaphore_mem>>)
          %dma_wait3A_183 = arith.constant 0 : i32
          %dma_wait3A_184 = tpu.memref_slice %arg3[%multiple_of3A_173, %dma_wait3A_183] : memref<16384x50xi32, #tpu.memory_space<hbm>> -> memref<32x50xi32, #tpu.memory_space<hbm>>
          %dma_wait3A_185 = arith.constant 0 : i32
          %dma_wait3A_186 = tpu.memref_slice %arg3[%multiple_of3A_173, %dma_wait3A_185] : memref<16384x50xi32, #tpu.memory_space<hbm>> -> memref<32x50xi32, #tpu.memory_space<hbm>>
          tpu.wait_dma2 semaphore(%run_scoped3A : memref<!tpu.dma_semaphore, #tpu.memory_space<semaphore_mem>>) src(%dma_wait3A_186 : memref<32x50xi32, #tpu.memory_space<hbm>>) dst(%arg5 : memref<32x50xi32, #tpu.memory_space<vmem>>)
          tpu.yield
        }) : () -> ()
        %scan3A_174 = arith.constant 0 : i32
        %scan3A_175 = arith.constant 32 : i32
        %scan3A_176 = arith.addi %scan3A_174, %scan3A_175 : i32
        %scan3A_177 = arith.constant 1 : i32
        scf.for %scan3A_179 = %scan3A_174 to %scan3A_176 step %scan3A_177  : i32 {
          %mul3A_180 = arith.constant 1 : i32
          %mul3A_181 = arith.muli %scan3A_179, %mul3A_180 : i32
          %add3A_182 = arith.constant 0 : i32
          %add3A_183 = arith.addi %add3A_182, %mul3A_181 : i32
          %dma_start3A_184 = arith.constant 0 : i32
          %dma_start3A_185 = arith.constant 0 : i32
          %dma_start3A_186 = tpu.memref_slice %arg6[%add3A_183, %dma_start3A_184, %dma_start3A_185] : memref<32x50x32xf32, #tpu.memory_space<vmem>> -> memref<1x50x32xf32, #tpu.memory_space<vmem>>
          %dma_start3A_187 = tpu.memref_squeeze %dma_start3A_186 : memref<1x50x32xf32, #tpu.memory_space<vmem>> -> memref<50x32xf32, #tpu.memory_space<vmem>>
          %dma_start3A_188 = arith.constant 0 : i32
          %dma_start3A_189 = tpu.memref_slice %arg5[%add3A_183, %dma_start3A_188] : memref<32x50xi32, #tpu.memory_space<vmem>> -> memref<1x50xi32, #tpu.memory_space<vmem>>
          %dma_start3A_190 = tpu.memref_squeeze %dma_start3A_189 : memref<1x50xi32, #tpu.memory_space<vmem>> -> memref<50xi32, #tpu.memory_space<vmem>>
          %dma_start3A_191 = arith.constant 0 : i32
          %dma_start3A_192 = arith.constant 0 : i32
          %dma_start3A_193 = tpu.memref_slice %arg2[%dma_start3A_191, %dma_start3A_192] : memref<1000000x32xf32, #tpu.memory_space<hbm>> -> memref<1000000x32xf32, #tpu.memory_space<hbm>>
          tpu.enqueue_indirect_dma source(%dma_start3A_193 : memref<1000000x32xf32, #tpu.memory_space<hbm>>) target(%dma_start3A_187 : memref<50x32xf32, #tpu.memory_space<vmem>>) offsets(%dma_start3A_190 : memref<50xi32, #tpu.memory_space<vmem>>) semaphore(%arg8 : memref<!tpu.dma_semaphore, #tpu.memory_space<semaphore_mem>>)
        }
        %scan3A_178 = arith.constant 32 : i32
      } else {
      }
      %dma_wait3A = arith.constant 0 : i32
      %dma_wait3A_129 = arith.constant 0 : i32
      %dma_wait3A_130 = arith.constant 0 : i32
      %dma_wait3A_131 = arith.constant 0 : i32
      %dma_wait3A_132 = tpu.memref_slice %arg7[%dma_wait3A, %dma_wait3A_129, %dma_wait3A_130, %dma_wait3A_131] : memref<50x4x8x33xf32, #tpu.memory_space<vmem>> -> memref<25x4x8x32xf32, #tpu.memory_space<vmem>>
      %dma_wait3A_133 = arith.constant 0 : i32
      %dma_wait3A_134 = arith.constant 0 : i32
      %dma_wait3A_135 = arith.constant 0 : i32
      %dma_wait3A_136 = tpu.memref_slice %arg4[%dma_wait3A_133, %dma_wait3A_134, %div3A_73, %dma_wait3A_135, %multiple_of3A_76] : memref<50x4x128x8x128xf32, #tpu.memory_space<hbm>> -> memref<25x4x1x8x32xf32, #tpu.memory_space<hbm>>
      %dma_wait3A_137 = tpu.memref_squeeze %dma_wait3A_136 : memref<25x4x1x8x32xf32, #tpu.memory_space<hbm>> -> memref<25x4x8x32xf32, #tpu.memory_space<hbm>>
      %dma_wait3A_138 = arith.constant 0 : i32
      %dma_wait3A_139 = arith.constant 0 : i32
      %dma_wait3A_140 = arith.constant 0 : i32
      %dma_wait3A_141 = tpu.memref_slice %arg4[%dma_wait3A_138, %dma_wait3A_139, %div3A_73, %dma_wait3A_140, %multiple_of3A_76] : memref<50x4x128x8x128xf32, #tpu.memory_space<hbm>> -> memref<25x4x1x8x32xf32, #tpu.memory_space<hbm>>
      %dma_wait3A_142 = tpu.memref_squeeze %dma_wait3A_141 : memref<25x4x1x8x32xf32, #tpu.memory_space<hbm>> -> memref<25x4x8x32xf32, #tpu.memory_space<hbm>>
      %dma_wait3A_143 = arith.constant 0 : i32
      %dma_wait3A_144 = arith.constant 0 : i32
      %dma_wait3A_145 = arith.constant 0 : i32
      %dma_wait3A_146 = arith.constant 0 : i32
      %dma_wait3A_147 = tpu.memref_slice %arg7[%dma_wait3A_143, %dma_wait3A_144, %dma_wait3A_145, %dma_wait3A_146] : memref<50x4x8x33xf32, #tpu.memory_space<vmem>> -> memref<25x4x8x32xf32, #tpu.memory_space<vmem>>
      tpu.wait_dma2 semaphore(%arg9 : memref<!tpu.dma_semaphore, #tpu.memory_space<semaphore_mem>>) src(%dma_wait3A_147 : memref<25x4x8x32xf32, #tpu.memory_space<vmem>>) dst(%dma_wait3A_142 : memref<25x4x8x32xf32, #tpu.memory_space<hbm>>)
      %dma_wait3A_148 = arith.constant 25 : i32
      %dma_wait3A_149 = arith.constant 0 : i32
      %dma_wait3A_150 = arith.constant 0 : i32
      %dma_wait3A_151 = arith.constant 0 : i32
      %dma_wait3A_152 = tpu.memref_slice %arg7[%dma_wait3A_148, %dma_wait3A_149, %dma_wait3A_150, %dma_wait3A_151] : memref<50x4x8x33xf32, #tpu.memory_space<vmem>> -> memref<25x4x8x32xf32, #tpu.memory_space<vmem>>
      %dma_wait3A_153 = arith.constant 25 : i32
      %dma_wait3A_154 = arith.constant 0 : i32
      %dma_wait3A_155 = arith.constant 0 : i32
      %dma_wait3A_156 = tpu.memref_slice %arg4[%dma_wait3A_153, %dma_wait3A_154, %div3A_73, %dma_wait3A_155, %multiple_of3A_76] : memref<50x4x128x8x128xf32, #tpu.memory_space<hbm>> -> memref<25x4x1x8x32xf32, #tpu.memory_space<hbm>>
      %dma_wait3A_157 = tpu.memref_squeeze %dma_wait3A_156 : memref<25x4x1x8x32xf32, #tpu.memory_space<hbm>> -> memref<25x4x8x32xf32, #tpu.memory_space<hbm>>
      %dma_wait3A_158 = arith.constant 25 : i32
      %dma_wait3A_159 = arith.constant 0 : i32
      %dma_wait3A_160 = arith.constant 0 : i32
      %dma_wait3A_161 = tpu.memref_slice %arg4[%dma_wait3A_158, %dma_wait3A_159, %div3A_73, %dma_wait3A_160, %multiple_of3A_76] : memref<50x4x128x8x128xf32, #tpu.memory_space<hbm>> -> memref<25x4x1x8x32xf32, #tpu.memory_space<hbm>>
      %dma_wait3A_162 = tpu.memref_squeeze %dma_wait3A_161 : memref<25x4x1x8x32xf32, #tpu.memory_space<hbm>> -> memref<25x4x8x32xf32, #tpu.memory_space<hbm>>
      %dma_wait3A_163 = arith.constant 25 : i32
      %dma_wait3A_164 = arith.constant 0 : i32
      %dma_wait3A_165 = arith.constant 0 : i32
      %dma_wait3A_166 = arith.constant 0 : i32
      %dma_wait3A_167 = tpu.memref_slice %arg7[%dma_wait3A_163, %dma_wait3A_164, %dma_wait3A_165, %dma_wait3A_166] : memref<50x4x8x33xf32, #tpu.memory_space<vmem>> -> memref<25x4x8x32xf32, #tpu.memory_space<vmem>>
      tpu.wait_dma2 semaphore(%arg9 : memref<!tpu.dma_semaphore, #tpu.memory_space<semaphore_mem>>) src(%dma_wait3A_167 : memref<25x4x8x32xf32, #tpu.memory_space<vmem>>) dst(%dma_wait3A_162 : memref<25x4x8x32xf32, #tpu.memory_space<hbm>>)
    }
    %scan3A_57 = arith.constant 16 : i32
    return
  }
}

</mosaic_0001>

<sc_bundles>
// kernel: kernel.3.cloned.1.call-start
scs
__scs_entry_jumppad:
0x0: {  	(pc) =	sbr.rel $0x88, $3  }
0x1: {  	(tag) =	ssettag $0x0;
	lr =	simm.s32 $0x1  }
0x2: {  	[smem:$0x3F9F] =	sst lr;
	_ =	strace $0xD0000000  }
0x3: {  	_ = 	snop  }
0x4: {  	_ = 	snop  }
0x5: {  	_ = 	snop  }
0x6: {  	_ = 	snop  }
0x7: {  	_ = 	snop  }
__scs_overlays_trampoline_lowered:
0x8: {  	[smem:$0x3FAE] =	sst s0  }
0x9: {  	[smem:$0x3FAF] =	sst s1  }
0xa: {  	[smem:$0x3FB0] =	sst s2  }
0xb: {  	[smem:$0x3FB1] =	sst s3  }
0xc: {  	[smem:$0x3FB2] =	sst s4  }
0xd: {  	[smem:$0x3FB3] =	sst s5  }
0xe: {  	[smem:$0x3FB4] =	sst s6  }
0xf: {  	[smem:$0x3FB5] =	sst s7  }
0x10: {  	[smem:$0x3FB6] =	sst s8  }
0x11: {  	[smem:$0x3FB7] =	sst s9;
	s0 =	simm.s32 @!p0 $0x0  }
0x12: {  	s1 =	sld [smem:$0x3F9D];
	s0 =	simm.s32 @p0 $0x1  }
0x13: {  	[smem:$0x3FB8] =	sst s0;
	s0 =	simm.s32 @!p1 $0x0  }
0x14: {  	s2 =	sld [smem:$0x3F9C];
	s0 =	simm.s32 @p1 $0x1  }
0x15: {  	[smem:$0x3FB9] =	sst s0;
	s0 =	simm.s32 @!p2 $0x0  }
0x16: {  	s3 =	sld [smem:$0x3FDB];
	s0 =	simm.s32 @p2 $0x1  }
0x17: {  	s4 =	simm.s32 $0x1BF5;
	[smem:$0x3FBB] =	sst s0  }
0x18: {  	s0 =	sld [smem:$0x3F9E];
	_ =	swait.ge [sflag:s4], $0x0  }
0x19: {  	s7 =	sld [smem:$0x3F9F]  }
0x1a: {  	s8 =	sadd.s32 $0xFFFFE003, lr  }
0x1b: {  	s9 =	sadd.s32 $0xFFFFFEF7, lr;
	s5 =	simm.s32 $0xFFFFFFFF;
	p2 =	slt.u32 s8, $0xFFFFF086  }
0x1c: {  	p1 =	slt.u32 s9, $0xF7A;
	s5 =	simm.s32 @!p2 $0x0  }
0x1d: {  	s5 =	simm.s32 @p1 $0x1;
	p0 =	seq.s32 s7, s2  }
0x1e: {  	s7 =	smul.u32 @!p0 $0xF7A, s2;
	p2 =	seq.s32 @!p0 s5, $0x0  }
0x1f: {  	s9 =	smul.u32 $0xF7A, s1;
	s8 =	simm.s32 @!p0 $0x1BF5;
	p2 =	por !p2, p0  }
0x20: {  	[sflag:s8] =	ssyncset.s32 @!p0 $0xFFFFF086;
	s6 =	sadd.s32 @!p0 s3, s7;
	s7 =	simm.s32 @!p0 $0x108  }
0x21: {  	s3 =	sadd.s32 s3, s9;
	s6 =	sadd.s32 @!p0 $0x88, s6;
	s7 =	simm.s32 @p2 $0x1082  }
0x22: {  	[simem:s7], [sflag:s8] =	dma.local @!p0 [hbm:s6], $0xF7A  }
0x23: {  	s9 =	sor.u32 $0xD0000000, s2;
	s6 =	simm.s32 $0x108;
	_ =	swait.ge @!p0 [sflag:s8], $0x0  }
0x24: {  	s3 =	sadd.s32 $0x88, s3;
	s6 =	simm.s32 @!p1 $0x1082;
	[sflag:s4] =	ssyncset.s32 $0xFFFFF086  }
0x25: {  	[simem:s6], [sflag:s4] =	dma.local [hbm:s3], $0xF7A  }
0x26: {  	[smem:$0x3F9F] =	sst s1;
	(tag) =	ssettag s2;
	_ =	strace s9  }
0x27: {  	s1 =	sld [smem:$0x3FAF]  }
0x28: {  	s2 =	sld [smem:$0x3FB0]  }
0x29: {  	s4 =	sld [smem:$0x3FB2]  }
0x2a: {  	p0 =	seq.s32 s5, $0x0;
	s5 =	sld [smem:$0x3FB3]  }
0x2b: {  	s6 =	sld [smem:$0x3FB4]  }
0x2c: {  	s7 =	sld [smem:$0x3FB5]  }
0x2d: {  	s3 =	simm.s32 $0x108;
	s8 =	sld [smem:$0x3FB6]  }
0x2e: {  	s3 =	simm.s32 @!p0 $0x1082;
	s9 =	sld [smem:$0x3FB7]  }
0x2f: {  	lr =	sadd.s32 s0, s3;
	s0 =	sld [smem:$0x3FAE]  }
0x30: {  	s3 =	sld [smem:$0x3FB1]  }
0x31: {  	[smem:$0x3FBA] =	sst s10  }
0x32: {  	s10 =	sld [smem:$0x3FB8];
	_ =	sdelay $0x3  }
0x33: {  	p0 =	seq.s32 s10, $0x1;
	s10 =	sld [smem:$0x3FBA];
	_ =	sdelay $0x3  }
0x34: {  	[smem:$0x3FBA] =	sst s10  }
0x35: {  	s10 =	sld [smem:$0x3FB9];
	_ =	sdelay $0x3  }
0x36: {  	p1 =	seq.s32 s10, $0x1;
	s10 =	sld [smem:$0x3FBA];
	_ =	sdelay $0x3  }
0x37: {  	[smem:$0x3FBA] =	sst s10  }
0x38: {  	s10 =	sld [smem:$0x3FBB]  }
0x39: {  	_ = 	snop;
	(pc) =	sbr.ind lr, $3  }
0x3a: {  	_ = 	snop  }
0x3b: {  	_ = 	snop  }
0x3c: {  	p2 =	seq.s32 s10, $0x1;
	s10 =	sld [smem:$0x3FBA]  }
0x3d: {  	_ =	shalt  }
0x3e: {  	_ =	shalt  }
0x3f: {  	_ =	shalt  }
0x40: {  	_ =	shalt  }
0x41: {  	_ =	shalt  }
0x42: {  	_ =	shalt  }
0x43: {  	_ =	shalt  }
0x44: {  	_ =	shalt  }
0x45: {  	_ =	shalt  }
0x46: {  	_ =	shalt  }
0x47: {  	_ =	shalt  }
0x48: {  	_ =	shalt  }
0x49: {  	_ =	shalt  }
0x4a: {  	_ =	shalt  }
0x4b: {  	_ =	shalt  }
0x4c: {  	_ =	shalt  }
0x4d: {  	_ =	shalt  }
0x4e: {  	_ =	shalt  }
0x4f: {  	_ =	shalt  }
0x50: {  	_ =	shalt  }
0x51: {  	_ =	shalt  }
0x52: {  	_ =	shalt  }
0x53: {  	_ =	shalt  }
0x54: {  	_ =	shalt  }
0x55: {  	_ =	shalt  }
0x56: {  	_ =	shalt  }
0x57: {  	_ =	shalt  }
0x58: {  	_ =	shalt  }
0x59: {  	_ =	shalt  }
0x5a: {  	_ =	shalt  }
0x5b: {  	_ =	shalt  }
0x5c: {  	_ =	shalt  }
0x5d: {  	_ =	shalt  }
0x5e: {  	_ =	shalt  }
0x5f: {  	_ =	shalt  }
0x60: {  	_ =	shalt  }
0x61: {  	_ =	shalt  }
0x62: {  	_ =	shalt  }
0x63: {  	_ =	shalt  }
0x64: {  	_ =	shalt  }
0x65: {  	_ =	shalt  }
0x66: {  	_ =	shalt  }
0x67: {  	_ =	shalt  }
0x68: {  	_ =	shalt  }
0x69: {  	_ =	shalt  }
0x6a: {  	_ =	shalt  }
0x6b: {  	_ =	shalt  }
0x6c: {  	_ =	shalt  }
0x6d: {  	_ =	shalt  }
0x6e: {  	_ =	shalt  }
0x6f: {  	_ =	shalt  }
0x70: {  	_ =	shalt  }
0x71: {  	_ =	shalt  }
0x72: {  	_ =	shalt  }
0x73: {  	_ =	shalt  }
0x74: {  	_ =	shalt  }
0x75: {  	_ =	shalt  }
0x76: {  	_ =	shalt  }
0x77: {  	_ =	shalt  }
0x78: {  	_ =	shalt  }
0x79: {  	_ =	shalt  }
0x7a: {  	_ =	shalt  }
0x7b: {  	_ =	shalt  }
0x7c: {  	_ =	shalt  }
0x7d: {  	_ =	shalt  }
0x7e: {  	_ =	shalt  }
0x7f: {  	_ =	shalt  }
0x80: {  	_ =	shalt  }
0x81: {  	_ =	shalt  }
0x82: {  	_ =	shalt  }
0x83: {  	_ =	shalt  }
0x84: {  	_ =	shalt  }
0x85: {  	_ =	shalt  }
0x86: {  	_ =	shalt  }
0x87: {  	_ =	shalt  }
.Lfunc_end0:
.L_simem_size_0:
called_computation_lowered:
.L_overlay_start_0:
0x88: {  	s2 =	sld [smem:$0x3FD9]  }
0x89: {  	s3 =	sld [smem:$0x3FFE];
	_ =	sdelay $0x1  }
0x8a: {  	s1 =	srdreg.scid  }
0x8b: {  	s0 =	sand.u32 $0x1, s1  }
0x8c: {  	s17 =	sshll.u32 s0, $0xA;
	s2 =	sadd.s32 s3, s2  }
0x8d: {  	s2 =	sadd.s32 s2, s17  }
0x8e: {  	[smem:$0x3FC6] =	sst s2  }
0x8f: {  	_ = 	snop  }
0x90: {  	s2 =	sld [smem:$0x3FD0];
	(tm) =	ssettm $0x1  }
0x91: {  	s18 =	sld [smem:$0x3FFB];
	_ =	sdelay $0x3  }
0x92: {  	_ =	strace s18  }
0x93: {  	s3 =	sld [smem:$0x3FFC];
	_ =	sdelay $0x3  }
0x94: {  	_ =	strace s3  }
0x95: {  	s3 =	sld [smem:$0x3FFD];
	_ =	sdelay $0x3  }
0x96: {  	_ =	strace s3  }
0x97: {  	_ =	strace $0x8FFFFFFF  }
0x98: {  	s19 =	sld [smem:$0x3FDB];
	_ =	sdelay $0x1  }
0x99: {  	s4 =	simm.s32 $_scs_section_size  }
0x9a: {  	s5 =	simm.s32 $_size__tile_overlayer_lowered;
	s6 =	simm.s32 $_tile_overlayer_lowered  }
0x9b: {  	s22 =	simm.s32 $0x1BFF;
	s21 =	sshll.u32 s6, $0x1;
	s3 =	sadd.s32 s4, s19  }
0x9c: {  	s7 =	simm.s32 $0x0;
	s20 =	sshll.u32 s5, $0x1;
	s5 =	sadd.s32 s21, s3  }
0x9d: {  	[timem:s7], [sflag:s22] =	dma.local [hbm:s5], s20  }
0x9e: {  	_ =	swait.ge [sflag:s22], s20  }
0x9f: {  	s4 =	ssub.s32 $0x0, s20;
	[sflag:s22] =	ssyncset.done $0x0  }
0xa0: {  	[sflag:s22] =	ssyncadd.s32 s4;
	_ =	sdelay $0x1  }
0xa1: {  	s23 =	simm.s32 $0x1B8B  }
0xa2: {  	_ =	swait.ge [sflag:s23], $0x1  }
0xa3: {  	[sflag:s23] =	ssyncset.done $0x0  }
0xa4: {  	s25 =	simm.s32 $0x1B8E;
	s24 =	sld [smem:$0x3FFE];
	[sflag:s23] =	ssyncadd.s32 $0xFFFFFFFF  }
0xa5: {  	s26 =	simm.s32 $execute0_lowered;
	[smem:$0x3FD2] =	sst s25  }
0xa6: {  	s5 =	sshll.u32 s26, $0x1;
	_ =	strace $0x80000046;
	[dreg:$0x1] =	wrdreg $0xFFFFFFFF  }
0xa7: {  	s28 =	simm.s32 $_size_execute0_lowered;
	s3 =	sadd.s32 s3, s5;
	[dreg:$0x0] =	wrdreg $0x0  }
0xa8: {  	s5 =	sshll.u32 s28, $0x1;
	[dreg:$0x2] =	wrdreg s3  }
0xa9: {  	[dreg:$0x3] =	wrdreg s5  }
0xaa: {  	[dreg:$0x4] =	wrdreg $0xC0  }
0xab: {  	_ =	task [dreg:s7], $0x5FFFF  }
0xac: {  	[dreg:$0x1] =	wrdreg $0xFFFFFFFF  }
0xad: {  	[dreg:$0x0] =	wrdreg $0x60  }
0xae: {  	[dreg:$0x2] =	wrdreg s24  }
0xaf: {  	[dreg:$0x3] =	wrdreg s2  }
0xb0: {  	[dreg:$0x4] =	wrdreg $0x9  }
0xb1: {  	_ =	task.clear_ibuf [dreg:s7], $0x5FFFF;
	_ =	strace $0x90000046  }
0xb2: {  	s29 =	simm.s32 $0x9;
	_ =	strace $0x80000048  }
0xb3: {  	_ =	swait.ge [sflag:s29], $0x1  }
0xb4: {  	[sflag:s29] =	ssyncadd.s32 $0xFFFFFFFF  }
0xb5: {  	_ =	strace $0x90000048  }
0xb6: {  	_ =	sfence  }
0xb7: {  	s30 =	sld [smem:$0x0];
	_ =	sdelay $0x2  }
0xb8: {  	s31 =	sshll.u32 s1, $0xD;
	s1 =	sshrl.u32 s1, $0x2  }
0xb9: {  	s3 =	sand.u32 $0x4000, s31;
	s1 =	sadd.s32 s1, s30  }
0xba: {  	s0 =	sor.u32 s3, s0;
	s1 =	sshll.u32 s1, $0x11  }
0xbb: {  	s0 =	sor.u32 s1, s0  }
0xbc: {  	s0 =	sadd.s32 $0x8F2B, s0  }
0xbd: {  	[sflag:s0] =	ssyncadd.remote.s32 $0x1  }
0xbe: {  	_ =	sfence.sel $0xFFFF  }
0xbf: {  	[dreg:$0x0] =	wrdreg $0xFFFFFFFF;
	(pc) =	sbr.abs _section_cstart, $3  }
0xc0: {  	[dreg:$0x1] =	wrdreg $0xFFFFFFFF  }
0xc1: {  	_ =	task.clear_ibuf [dreg:s7], $0x2FFFF;
	_ =	strace $0x9FFFFFFF  }
0xc2: {  	(tm) =	ssettm $0x7FFFFFFF  }
0xc3: {  	_ =	shalt  }
tec
execute0_lowered:
.L_overlay_start_1:
0x0: {  	(tag) =	ssettag $0x1  }
0x1: {  	s0 =	srdreg.scid  }
0x2: {  	s1 =	rddreg [dreg:$0x0];
	s3 =	stileid.u32  }
0x3: {  	s2 =	rddreg [dreg:$0x1];
	s11 =	simm.s32 $0x3;
	s12 =	simm.s32 $0x32  }
0x4: {  	s23 =	simm.s32 $0xAFC0;
	s24 =	simm.s32 $0x620;
	s25 =	simm.s32 $0xB600  }
0x5: {  	s28 =	simm.s32 $0xBC40;
	s29 =	simm.s32 $0x690;
	s30 =	simm.s32 $0xC280  }
0x6: {  	s31 =	simm.s32 $0x6C8;
	s10 =	simm.s32 $0x2;
	s14 =	simm.s32 $0x0  }
0x7: {  	s0 =	sand.u32 $0x1, s0;
	s4 =	sshll.u32 s3, $0xA;
	s3 =	simm.s32 $0x0  }
0x8: {  	s6 =	sadd.s32 $0xF42A00, s1;
	s5 =	sshll.u32 s0, $0x9;
	[smem:$0x7FF] =	sst s3  }
0x9: {  	s0 =	ssub.s32 $0x2, s0;
	s4 =	sor.u32 s5, s4;
	_ =	strace $0x80000047  }
.Ltmp0:
0xa: {  	s5 =	sadd.s32 $0x600, s1;
	s8 =	sshrl.u32 s0, $0x1;
	(pc) =	sbr.rel .LBB2_1-.Ltmp0, $4  }
0xb: {  	v0 =	vlaneseq.u32;
	s1 =	simm.s32 $0xC8C0;
	s7 =	smul.u32 $0x7, s4;
	s0 =	ssub.s32 s0, s8  }
0xc: {  	v0 =	vmul.u32 $0x28, v0;
	s8 =	sadd.s32 $0x190000, s2;
	s9 =	sor.u32 $0x20, s4;
	s0 =	smax.u32 s0, $0x1  }
0xd: {  	s26 =	sadd.s32 s5, s7;
	[dreg:$0x4] =	wrdreg s0;
	s0 =	simm.s32 $0x1  }
0xe: {  	v1 =	vadd.s32 $0x280, v0;
	s7 =	simm.s32 $0xCF00;
	[dreg:$0x3] =	wrdreg s26;
	s26 =	simm.s32 $0x658  }
.LBB2_17:
0xf: {  	s14 =	rddreg [dreg:$0x5]  }
0x10: {  	s13 =	rddreg [dreg:$0x4];
	s14 =	sadd.s32 $0x1, s14  }
0x11: {  	p0 =	sne.s32 s14, s13  }
.Ltmp1:
0x12: {  	_ = 	snop;
	(pc) =	sbr.rel @!p0 .LBB2_18-.Ltmp1, $1  }
0x13: {  	_ =	sdelay $0x3  }
.LBB2_1:
0x14: {  	[dreg:$0x5] =	wrdreg s14  }
0x15: {  	s13 =	rddreg [dreg:$0x3]  }
0x16: {  	[tilespmem:s3], [sflag:$0x3] =	stream.linear.gather [hbm4b:s13+s3], $0x700, $0x38;
	[tilespmem:$0x1C900] =	vst v63  }
0x17: {  	_ =	swait.ge [sflag:s11], $0x700  }
0x18: {  	[sflag:s11] =	ssyncset.done $0x0  }
0x19: {  	s18 =	simm.s32 $0x700;
	[sflag:s11] =	ssyncadd.s32 $0xFFFFF900  }
0x1a: {  	[tilespmem:s18], [sflag:$0x1] =	stream.indirect.gather [hbm4b:s6+s12], $0x20, s3, s12, $0xb8;
	[tilespmem:$0x1C900] =	vst v63  }
0x1b: {  	s19 =	simm.s32 $0x38;
	s20 =	simm.s32 $0xD40  }
0x1c: {  	[tilespmem:s20], [sflag:$0x1] =	stream.indirect.gather [hbm4b:s6+s12], $0x20, s19, s12, $0xb8;
	[tilespmem:$0x1C900] =	vst v63  }
0x1d: {  	s21 =	simm.s32 $0x70;
	s22 =	simm.s32 $0x1380  }
0x1e: {  	[tilespmem:s22], [sflag:$0x1] =	stream.indirect.gather [hbm4b:s6+s12], $0x20, s21, s12, $0xb8;
	[tilespmem:$0x1C900] =	vst v63  }
0x1f: {  	s15 =	simm.s32 $0xA8;
	s16 =	simm.s32 $0x19C0  }
0x20: {  	[tilespmem:s16], [sflag:$0x1] =	stream.indirect.gather [hbm4b:s6+s12], $0x20, s15, s12, $0xb8;
	[tilespmem:$0x1C900] =	vst v63  }
0x21: {  	s17 =	simm.s32 $0xE0;
	s18 =	simm.s32 $0x2000  }
0x22: {  	[tilespmem:s18], [sflag:$0x1] =	stream.indirect.gather [hbm4b:s6+s12], $0x20, s17, s12, $0xb8;
	[tilespmem:$0x1C900] =	vst v63  }
0x23: {  	s19 =	simm.s32 $0x118;
	s20 =	simm.s32 $0x2640  }
0x24: {  	[tilespmem:s20], [sflag:$0x1] =	stream.indirect.gather [hbm4b:s6+s12], $0x20, s19, s12, $0xb8;
	[tilespmem:$0x1C900] =	vst v63  }
0x25: {  	s21 =	simm.s32 $0x150;
	s22 =	simm.s32 $0x2C80  }
0x26: {  	[tilespmem:s22], [sflag:$0x1] =	stream.indirect.gather [hbm4b:s6+s12], $0x20, s21, s12, $0xb8;
	[tilespmem:$0x1C900] =	vst v63  }
0x27: {  	s15 =	simm.s32 $0x188;
	s16 =	simm.s32 $0x32C0  }
0x28: {  	[tilespmem:s16], [sflag:$0x1] =	stream.indirect.gather [hbm4b:s6+s12], $0x20, s15, s12, $0xb8;
	[tilespmem:$0x1C900] =	vst v63  }
0x29: {  	s17 =	simm.s32 $0x1C0;
	s18 =	simm.s32 $0x3900  }
0x2a: {  	[tilespmem:s18], [sflag:$0x1] =	stream.indirect.gather [hbm4b:s6+s12], $0x20, s17, s12, $0xb8;
	[tilespmem:$0x1C900] =	vst v63  }
0x2b: {  	s19 =	simm.s32 $0x1F8;
	s20 =	simm.s32 $0x3F40  }
0x2c: {  	[tilespmem:s20], [sflag:$0x1] =	stream.indirect.gather [hbm4b:s6+s12], $0x20, s19, s12, $0xb8;
	[tilespmem:$0x1C900] =	vst v63  }
0x2d: {  	s21 =	simm.s32 $0x230;
	s22 =	simm.s32 $0x4580  }
0x2e: {  	[tilespmem:s22], [sflag:$0x1] =	stream.indirect.gather [hbm4b:s6+s12], $0x20, s21, s12, $0xb8;
	[tilespmem:$0x1C900] =	vst v63  }
0x2f: {  	s15 =	simm.s32 $0x268;
	s16 =	simm.s32 $0x4BC0  }
0x30: {  	[tilespmem:s16], [sflag:$0x1] =	stream.indirect.gather [hbm4b:s6+s12], $0x20, s15, s12, $0xb8;
	[tilespmem:$0x1C900] =	vst v63  }
0x31: {  	s17 =	simm.s32 $0x2A0;
	s18 =	simm.s32 $0x5200  }
0x32: {  	[tilespmem:s18], [sflag:$0x1] =	stream.indirect.gather [hbm4b:s6+s12], $0x20, s17, s12, $0xb8;
	[tilespmem:$0x1C900] =	vst v63  }
0x33: {  	s19 =	simm.s32 $0x2D8;
	s20 =	simm.s32 $0x5840  }
0x34: {  	[tilespmem:s20], [sflag:$0x1] =	stream.indirect.gather [hbm4b:s6+s12], $0x20, s19, s12, $0xb8;
	[tilespmem:$0x1C900] =	vst v63  }
0x35: {  	s21 =	simm.s32 $0x310;
	s22 =	simm.s32 $0x5E80  }
0x36: {  	[tilespmem:s22], [sflag:$0x1] =	stream.indirect.gather [hbm4b:s6+s12], $0x20, s21, s12, $0xb8;
	[tilespmem:$0x1C900] =	vst v63  }
0x37: {  	s15 =	simm.s32 $0x348;
	s16 =	simm.s32 $0x64C0  }
0x38: {  	[tilespmem:s16], [sflag:$0x1] =	stream.indirect.gather [hbm4b:s6+s12], $0x20, s15, s12, $0xb8;
	[tilespmem:$0x1C900] =	vst v63  }
0x39: {  	s17 =	simm.s32 $0x380;
	s18 =	simm.s32 $0x6B00  }
0x3a: {  	[tilespmem:s18], [sflag:$0x1] =	stream.indirect.gather [hbm4b:s6+s12], $0x20, s17, s12, $0xb8;
	[tilespmem:$0x1C900] =	vst v63  }
0x3b: {  	s19 =	simm.s32 $0x3B8;
	s20 =	simm.s32 $0x7140  }
0x3c: {  	[tilespmem:s20], [sflag:$0x1] =	stream.indirect.gather [hbm4b:s6+s12], $0x20, s19, s12, $0xb8;
	[tilespmem:$0x1C900] =	vst v63  }
0x3d: {  	s21 =	simm.s32 $0x3F0;
	s22 =	simm.s32 $0x7780  }
0x3e: {  	[tilespmem:s22], [sflag:$0x1] =	stream.indirect.gather [hbm4b:s6+s12], $0x20, s21, s12, $0xb8;
	[tilespmem:$0x1C900] =	vst v63  }
0x3f: {  	s15 =	simm.s32 $0x428;
	s16 =	simm.s32 $0x7DC0  }
0x40: {  	[tilespmem:s16], [sflag:$0x1] =	stream.indirect.gather [hbm4b:s6+s12], $0x20, s15, s12, $0xb8;
	[tilespmem:$0x1C900] =	vst v63  }
0x41: {  	s17 =	simm.s32 $0x460;
	s18 =	simm.s32 $0x8400  }
0x42: {  	[tilespmem:s18], [sflag:$0x1] =	stream.indirect.gather [hbm4b:s6+s12], $0x20, s17, s12, $0xb8;
	[tilespmem:$0x1C900] =	vst v63  }
0x43: {  	s19 =	simm.s32 $0x498;
	s20 =	simm.s32 $0x8A40  }
0x44: {  	[tilespmem:s20], [sflag:$0x1] =	stream.indirect.gather [hbm4b:s6+s12], $0x20, s19, s12, $0xb8;
	[tilespmem:$0x1C900] =	vst v63  }
0x45: {  	s21 =	simm.s32 $0x4D0;
	s22 =	simm.s32 $0x9080  }
0x46: {  	[tilespmem:s22], [sflag:$0x1] =	stream.indirect.gather [hbm4b:s6+s12], $0x20, s21, s12, $0xb8;
	[tilespmem:$0x1C900] =	vst v63  }
0x47: {  	s14 =	simm.s32 $0x508;
	s15 =	simm.s32 $0x96C0  }
0x48: {  	[tilespmem:s15], [sflag:$0x1] =	stream.indirect.gather [hbm4b:s6+s12], $0x20, s14, s12, $0xb8;
	[tilespmem:$0x1C900] =	vst v63  }
0x49: {  	s16 =	simm.s32 $0x540;
	s17 =	simm.s32 $0x9D00  }
0x4a: {  	[tilespmem:s17], [sflag:$0x1] =	stream.indirect.gather [hbm4b:s6+s12], $0x20, s16, s12, $0xb8;
	[tilespmem:$0x1C900] =	vst v63  }
0x4b: {  	s18 =	simm.s32 $0x578;
	s19 =	simm.s32 $0xA340  }
0x4c: {  	[tilespmem:s19], [sflag:$0x1] =	stream.indirect.gather [hbm4b:s6+s12], $0x20, s18, s12, $0xb8;
	[tilespmem:$0x1C900] =	vst v63  }
0x4d: {  	s20 =	simm.s32 $0x5B0;
	s21 =	simm.s32 $0xA980  }
0x4e: {  	[tilespmem:s21], [sflag:$0x1] =	stream.indirect.gather [hbm4b:s6+s12], $0x20, s20, s12, $0xb8;
	[tilespmem:$0x1C900] =	vst v63  }
0x4f: {  	s22 =	simm.s32 $0x5E8  }
0x50: {  	[tilespmem:s23], [sflag:$0x1] =	stream.indirect.gather [hbm4b:s6+s12], $0x20, s22, s12, $0xb8;
	[tilespmem:$0x1C900] =	vst v63  }
0x51: {  	_ = 	snop  }
0x52: {  	[tilespmem:s25], [sflag:$0x1] =	stream.indirect.gather [hbm4b:s6+s12], $0x20, s24, s12, $0xb8;
	[tilespmem:$0x1C900] =	vst v63  }
0x53: {  	_ = 	snop  }
0x54: {  	[tilespmem:s28], [sflag:$0x1] =	stream.indirect.gather [hbm4b:s6+s12], $0x20, s26, s12, $0xb8;
	[tilespmem:$0x1C900] =	vst v63  }
.Ltmp2:
0x55: {  	_ = 	snop;
	(pc) =	sbr.rel .LBB2_2-.Ltmp2, $4  }
0x56: {  	_ = 	snop  }
0x57: {  	[tilespmem:s30], [sflag:$0x1] =	stream.indirect.gather [hbm4b:s6+s12], $0x20, s29, s12, $0xb8;
	[tilespmem:$0x1C900] =	vst v63  }
0x58: {  	s13 =	simm.s32 $0x0  }
0x59: {  	[tilespmem:s1], [sflag:$0x1] =	stream.indirect.gather [hbm4b:s6+s12], $0x20, s31, s12, $0xb8;
	[tilespmem:$0x1C900] =	vst v63  }
.LBB2_16:
0x5a: {  	s13 =	sadd.s32 $0x1, s13  }
0x5b: {  	_ =	swait.ge [sflag:s10], $0x6400;
	p0 =	sne.s32 s13, $0x10  }
.Ltmp3:
0x5c: {  	[sflag:s10] =	ssyncset.done $0x0;
	(pc) =	sbr.rel @!p0 .LBB2_17-.Ltmp3, $4  }
0x5d: {  	[sflag:s10] =	ssyncadd.s32 $0xFFFF9C00  }
0x5e: {  	_ =	swait.ge [sflag:s10], $0x6400  }
0x5f: {  	[sflag:s10] =	ssyncset.done $0x0  }
0x60: {  	[sflag:s10] =	ssyncadd.s32 $0xFFFF9C00  }
.LBB2_2:
0x61: {  	_ =	swait.ge [sflag:s0], $0x640  }
0x62: {  	[sflag:s0] =	ssyncset.done $0x0  }
0x63: {  	[sflag:s0] =	ssyncadd.s32 $0xFFFFF9C0  }
0x64: {  	_ =	swait.ge [sflag:s0], $0x640  }
0x65: {  	[sflag:s0] =	ssyncset.done $0x0  }
0x66: {  	[sflag:s0] =	ssyncadd.s32 $0xFFFFF9C0  }
0x67: {  	_ =	swait.ge [sflag:s0], $0x640  }
0x68: {  	[sflag:s0] =	ssyncset.done $0x0  }
0x69: {  	[sflag:s0] =	ssyncadd.s32 $0xFFFFF9C0  }
0x6a: {  	_ =	swait.ge [sflag:s0], $0x640  }
0x6b: {  	[sflag:s0] =	ssyncset.done $0x0  }
0x6c: {  	[sflag:s0] =	ssyncadd.s32 $0xFFFFF9C0  }
0x6d: {  	_ =	swait.ge [sflag:s0], $0x640  }
0x6e: {  	[sflag:s0] =	ssyncset.done $0x0  }
0x6f: {  	[sflag:s0] =	ssyncadd.s32 $0xFFFFF9C0  }
0x70: {  	_ =	swait.ge [sflag:s0], $0x640  }
0x71: {  	[sflag:s0] =	ssyncset.done $0x0  }
0x72: {  	[sflag:s0] =	ssyncadd.s32 $0xFFFFF9C0  }
0x73: {  	_ =	swait.ge [sflag:s0], $0x640  }
0x74: {  	[sflag:s0] =	ssyncset.done $0x0  }
0x75: {  	[sflag:s0] =	ssyncadd.s32 $0xFFFFF9C0  }
0x76: {  	_ =	swait.ge [sflag:s0], $0x640  }
0x77: {  	[sflag:s0] =	ssyncset.done $0x0  }
0x78: {  	[sflag:s0] =	ssyncadd.s32 $0xFFFFF9C0  }
0x79: {  	_ =	swait.ge [sflag:s0], $0x640  }
0x7a: {  	[sflag:s0] =	ssyncset.done $0x0  }
0x7b: {  	[sflag:s0] =	ssyncadd.s32 $0xFFFFF9C0  }
0x7c: {  	_ =	swait.ge [sflag:s0], $0x640  }
0x7d: {  	[sflag:s0] =	ssyncset.done $0x0  }
0x7e: {  	[sflag:s0] =	ssyncadd.s32 $0xFFFFF9C0  }
0x7f: {  	_ =	swait.ge [sflag:s0], $0x640  }
0x80: {  	[sflag:s0] =	ssyncset.done $0x0  }
0x81: {  	[sflag:s0] =	ssyncadd.s32 $0xFFFFF9C0  }
0x82: {  	_ =	swait.ge [sflag:s0], $0x640  }
0x83: {  	[sflag:s0] =	ssyncset.done $0x0  }
0x84: {  	[sflag:s0] =	ssyncadd.s32 $0xFFFFF9C0  }
0x85: {  	_ =	swait.ge [sflag:s0], $0x640  }
0x86: {  	[sflag:s0] =	ssyncset.done $0x0  }
0x87: {  	[sflag:s0] =	ssyncadd.s32 $0xFFFFF9C0  }
0x88: {  	_ =	swait.ge [sflag:s0], $0x640  }
0x89: {  	[sflag:s0] =	ssyncset.done $0x0  }
0x8a: {  	[sflag:s0] =	ssyncadd.s32 $0xFFFFF9C0  }
0x8b: {  	_ =	swait.ge [sflag:s0], $0x640  }
0x8c: {  	[sflag:s0] =	ssyncset.done $0x0  }
0x8d: {  	[sflag:s0] =	ssyncadd.s32 $0xFFFFF9C0  }
0x8e: {  	_ =	swait.ge [sflag:s0], $0x640  }
0x8f: {  	[sflag:s0] =	ssyncset.done $0x0  }
0x90: {  	[sflag:s0] =	ssyncadd.s32 $0xFFFFF9C0  }
0x91: {  	_ =	swait.ge [sflag:s0], $0x640  }
0x92: {  	[sflag:s0] =	ssyncset.done $0x0  }
0x93: {  	[sflag:s0] =	ssyncadd.s32 $0xFFFFF9C0  }
0x94: {  	_ =	swait.ge [sflag:s0], $0x640  }
0x95: {  	[sflag:s0] =	ssyncset.done $0x0  }
0x96: {  	[sflag:s0] =	ssyncadd.s32 $0xFFFFF9C0  }
0x97: {  	_ =	swait.ge [sflag:s0], $0x640  }
0x98: {  	[sflag:s0] =	ssyncset.done $0x0  }
0x99: {  	[sflag:s0] =	ssyncadd.s32 $0xFFFFF9C0  }
0x9a: {  	_ =	swait.ge [sflag:s0], $0x640  }
0x9b: {  	[sflag:s0] =	ssyncset.done $0x0  }
0x9c: {  	[sflag:s0] =	ssyncadd.s32 $0xFFFFF9C0  }
0x9d: {  	_ =	swait.ge [sflag:s0], $0x640  }
0x9e: {  	[sflag:s0] =	ssyncset.done $0x0  }
0x9f: {  	[sflag:s0] =	ssyncadd.s32 $0xFFFFF9C0  }
0xa0: {  	_ =	swait.ge [sflag:s0], $0x640  }
0xa1: {  	[sflag:s0] =	ssyncset.done $0x0  }
0xa2: {  	[sflag:s0] =	ssyncadd.s32 $0xFFFFF9C0  }
0xa3: {  	_ =	swait.ge [sflag:s0], $0x640  }
0xa4: {  	[sflag:s0] =	ssyncset.done $0x0  }
0xa5: {  	[sflag:s0] =	ssyncadd.s32 $0xFFFFF9C0  }
0xa6: {  	_ =	swait.ge [sflag:s0], $0x640  }
0xa7: {  	[sflag:s0] =	ssyncset.done $0x0  }
0xa8: {  	[sflag:s0] =	ssyncadd.s32 $0xFFFFF9C0  }
0xa9: {  	_ =	swait.ge [sflag:s0], $0x640  }
0xaa: {  	[sflag:s0] =	ssyncset.done $0x0  }
0xab: {  	[sflag:s0] =	ssyncadd.s32 $0xFFFFF9C0  }
0xac: {  	_ =	swait.ge [sflag:s0], $0x640  }
0xad: {  	[sflag:s0] =	ssyncset.done $0x0  }
0xae: {  	[sflag:s0] =	ssyncadd.s32 $0xFFFFF9C0  }
0xaf: {  	_ =	swait.ge [sflag:s0], $0x640  }
0xb0: {  	[sflag:s0] =	ssyncset.done $0x0  }
0xb1: {  	[sflag:s0] =	ssyncadd.s32 $0xFFFFF9C0  }
0xb2: {  	_ =	swait.ge [sflag:s0], $0x640  }
0xb3: {  	[sflag:s0] =	ssyncset.done $0x0  }
0xb4: {  	[sflag:s0] =	ssyncadd.s32 $0xFFFFF9C0  }
0xb5: {  	_ =	swait.ge [sflag:s0], $0x640  }
0xb6: {  	[sflag:s0] =	ssyncset.done $0x0  }
0xb7: {  	[sflag:s0] =	ssyncadd.s32 $0xFFFFF9C0  }
0xb8: {  	_ =	swait.ge [sflag:s0], $0x640  }
0xb9: {  	[sflag:s0] =	ssyncset.done $0x0  }
0xba: {  	[sflag:s0] =	ssyncadd.s32 $0xFFFFF9C0  }
0xbb: {  	_ =	swait.ge [sflag:s0], $0x640  }
0xbc: {  	[sflag:s0] =	ssyncset.done $0x0  }
0xbd: {  	[sflag:s0] =	ssyncadd.s32 $0xFFFFF9C0  }
0xbe: {  	_ =	swait.ge [sflag:s0], $0x640  }
0xbf: {  	s14 =	simm.s32 $0x0;
	[sflag:s0] =	ssyncset.done $0x0  }
0xc0: {  	s15 =	simm.s32 $0x750;
	s16 =	simm.s32 $0x0;
	[sflag:s0] =	ssyncadd.s32 $0xFFFFF9C0  }
.LBB2_3:
0xc1: {  	v2 =	vmov s14  }
0xc2: {  	v2 =	vmul.u32 $0x500, v2  }
0xc3: {  	v3 =	vmov s16  }
0xc4: {  	v4 =	vand.u32 $0x1F, v3;
	v5 =	vbroadcast v2, $0x0  }
0xc5: {  	v3 =	vadd.s32 v0, v4  }
0xc6: {  	v2 =	vadd.s32 v1, v4;
	v4 =	vld [tilespmem:s15+$0xFFFFFFB0];
	v6 =	vadd.s32 v5, v3  }
0xc7: {  	v7 =	vld [tilespmem:s15+$0xFFFFFFC0];
	s17 =	simm.s32 $0x1;
	v5 =	vadd.s32 v5, v2  }
0xc8: {  	v8 =	vmov s17  }
0xc9: {  	v8 =	vmul.u32 $0x500, v8;
	_ =	sdelay $0x1  }
0xca: {  	[tilespmem:v6+s7+$0x0] =	vst.idx.msk $0xffff, v4;
	v4 =	vbroadcast v8, $0x0  }
0xcb: {  	[tilespmem:v5+s7+$0x0] =	vst.idx.msk $0xffff, v7  }
0xcc: {  	v5 =	vld [tilespmem:s15+$0xFFFFFFD0];
	v6 =	vadd.s32 v4, v3  }
0xcd: {  	s20 =	simm.s32 $0x2;
	v7 =	vld [tilespmem:s15+$0xFFFFFFE0];
	v4 =	vadd.s32 v4, v2  }
0xce: {  	v8 =	vmov s20  }
0xcf: {  	v8 =	vmul.u32 $0x500, v8;
	_ =	sdelay $0x1  }
0xd0: {  	[tilespmem:v6+s7+$0x0] =	vst.idx.msk $0xffff, v5;
	v5 =	vbroadcast v8, $0x0  }
0xd1: {  	[tilespmem:v4+s7+$0x0] =	vst.idx.msk $0xffff, v7  }
0xd2: {  	v4 =	vld [tilespmem:s15+$0xFFFFFFF0];
	v6 =	vadd.s32 v5, v3  }
0xd3: {  	s21 =	simm.s32 $0x3;
	v7 =	vld [tilespmem:s15+$0x0];
	v5 =	vadd.s32 v5, v2  }
0xd4: {  	v8 =	vmov s21  }
0xd5: {  	v8 =	vmul.u32 $0x500, v8;
	_ =	sdelay $0x1  }
0xd6: {  	[tilespmem:v6+s7+$0x0] =	vst.idx.msk $0xffff, v4;
	v4 =	vbroadcast v8, $0x0  }
0xd7: {  	[tilespmem:v5+s7+$0x0] =	vst.idx.msk $0xffff, v7  }
0xd8: {  	v5 =	vld [tilespmem:s15+$0x10];
	v6 =	vadd.s32 v4, v3  }
0xd9: {  	s22 =	simm.s32 $0x4;
	v7 =	vld [tilespmem:s15+$0x20];
	v4 =	vadd.s32 v4, v2  }
0xda: {  	v8 =	vmov s22  }
0xdb: {  	v8 =	vmul.u32 $0x500, v8;
	_ =	sdelay $0x1  }
0xdc: {  	[tilespmem:v6+s7+$0x0] =	vst.idx.msk $0xffff, v5;
	v6 =	vbroadcast v8, $0x0  }
0xdd: {  	[tilespmem:v4+s7+$0x0] =	vst.idx.msk $0xffff, v7  }
0xde: {  	v7 =	vld [tilespmem:s15+$0x30];
	v8 =	vadd.s32 v6, v3  }
0xdf: {  	s17 =	simm.s32 $0x5  }
0xe0: {  	v4 =	vmov s17;
	v5 =	vld [tilespmem:s15+$0x40];
	v6 =	vadd.s32 v6, v2  }
0xe1: {  	v4 =	vmul.u32 $0x500, v4;
	_ =	sdelay $0x1  }
0xe2: {  	s18 =	simm.s32 $0xA;
	s19 =	smov.u32 s15;
	v4 =	vbroadcast v4, $0x0;
	[tilespmem:v8+s7+$0x0] =	vst.idx.msk $0xffff, v7  }
.LBB2_4:
0xe3: {  	p0 =	slt.u32 s18, $0x14  }
0xe4: {  	[tilespmem:v6+s7+$0x0] =	vst.idx.msk $0xffff, v5;
	s19 =	sadd.s32 $0xA0, s19;
	s20 =	smov.u32 s18;
	s18 =	sadd.s32 $0x5, s18  }
0xe5: {  	v5 =	vld [tilespmem:s19+$0xFFFFFFB0];
	v6 =	vadd.s32 v4, v3  }
0xe6: {  	s21 =	sadd.s32 $0x1, s17;
	v4 =	vadd.s32 v4, v2;
	v7 =	vld [tilespmem:s19+$0xFFFFFFC0]  }
0xe7: {  	v8 =	vmov s21  }
0xe8: {  	v8 =	vmul.u32 $0x500, v8;
	_ =	sdelay $0x1  }
0xe9: {  	[tilespmem:v6+s7+$0x0] =	vst.idx.msk $0xffff, v5;
	v5 =	vbroadcast v8, $0x0  }
0xea: {  	[tilespmem:v4+s7+$0x0] =	vst.idx.msk $0xffff, v7  }
0xeb: {  	v4 =	vld [tilespmem:s19+$0xFFFFFFD0];
	v6 =	vadd.s32 v5, v3  }
0xec: {  	s21 =	sadd.s32 $0x2, s17;
	v5 =	vadd.s32 v5, v2;
	v7 =	vld [tilespmem:s19+$0xFFFFFFE0]  }
0xed: {  	v8 =	vmov s21  }
0xee: {  	v8 =	vmul.u32 $0x500, v8;
	_ =	sdelay $0x1  }
0xef: {  	[tilespmem:v6+s7+$0x0] =	vst.idx.msk $0xffff, v4;
	v4 =	vbroadcast v8, $0x0  }
0xf0: {  	[tilespmem:v5+s7+$0x0] =	vst.idx.msk $0xffff, v7  }
0xf1: {  	v5 =	vld [tilespmem:s19+$0xFFFFFFF0];
	v6 =	vadd.s32 v4, v3  }
0xf2: {  	s21 =	sadd.s32 $0x3, s17;
	v4 =	vadd.s32 v4, v2;
	v7 =	vld [tilespmem:s19+$0x0]  }
0xf3: {  	v8 =	vmov s21  }
0xf4: {  	v8 =	vmul.u32 $0x500, v8;
	_ =	sdelay $0x1  }
0xf5: {  	[tilespmem:v6+s7+$0x0] =	vst.idx.msk $0xffff, v5;
	v5 =	vbroadcast v8, $0x0  }
0xf6: {  	[tilespmem:v4+s7+$0x0] =	vst.idx.msk $0xffff, v7  }
0xf7: {  	v4 =	vld [tilespmem:s19+$0x10];
	v6 =	vadd.s32 v5, v3  }
0xf8: {  	s21 =	sadd.s32 $0x4, s17;
	s17 =	smov.u32 s20;
	v5 =	vadd.s32 v5, v2;
	v7 =	vld [tilespmem:s19+$0x20]  }
0xf9: {  	v8 =	vmov s21  }
0xfa: {  	v8 =	vmul.u32 $0x500, v8;
	_ =	sdelay $0x1  }
0xfb: {  	[tilespmem:v6+s7+$0x0] =	vst.idx.msk $0xffff, v4;
	v4 =	vbroadcast v8, $0x0  }
0xfc: {  	[tilespmem:v5+s7+$0x0] =	vst.idx.msk $0xffff, v7  }
0xfd: {  	v7 =	vld [tilespmem:s19+$0x30];
	v8 =	vadd.s32 v4, v3  }
.Ltmp4:
0xfe: {  	v6 =	vadd.s32 v4, v2;
	v5 =	vld [tilespmem:s19+$0x40];
	(pc) =	sbr.rel @p0 .LBB2_4-.Ltmp4, $3  }
0xff: {  	v4 =	vmov s17  }
0x100: {  	v4 =	vmul.u32 $0x500, v4;
	_ =	sdelay $0x1  }
0x101: {  	v4 =	vbroadcast v4, $0x0;
	[tilespmem:v8+s7+$0x0] =	vst.idx.msk $0xffff, v7  }
0x102: {  	_ =	sdelay $0x3  }
0x103: {  	[tilespmem:v6+s7+$0x0] =	vst.idx.msk $0xffff, v5;
	s18 =	sadd.s32 $0xA0, s19  }
0x104: {  	v5 =	vld [tilespmem:s18+$0xFFFFFFB0];
	v52 =	vadd.s32 v4, v3  }
0x105: {  	s22 =	sadd.s32 $0x1, s17;
	v7 =	vld [tilespmem:s18+$0xFFFFFFC0];
	v53 =	vadd.s32 v4, v2  }
0x106: {  	v8 =	vmov s22  }
0x107: {  	v8 =	vmul.u32 $0x500, v8;
	_ =	sdelay $0x1  }
0x108: {  	v54 =	vbroadcast v8, $0x0;
	[tilespmem:v52+s7+$0x0] =	vst.idx.msk $0xffff, v5  }
0x109: {  	[tilespmem:v53+s7+$0x0] =	vst.idx.msk $0xffff, v7  }
0x10a: {  	v55 =	vadd.s32 v54, v3;
	v4 =	vld [tilespmem:s18+$0xFFFFFFD0]  }
0x10b: {  	s20 =	sadd.s32 $0x2, s17;
	v5 =	vadd.s32 v54, v2;
	v7 =	vld [tilespmem:s18+$0xFFFFFFE0]  }
0x10c: {  	v56 =	vmov s20  }
0x10d: {  	v8 =	vmul.u32 $0x500, v56;
	_ =	sdelay $0x1  }
0x10e: {  	v57 =	vbroadcast v8, $0x0;
	[tilespmem:v55+s7+$0x0] =	vst.idx.msk $0xffff, v4  }
0x10f: {  	[tilespmem:v5+s7+$0x0] =	vst.idx.msk $0xffff, v7  }
0x110: {  	v58 =	vadd.s32 v57, v3;
	v5 =	vld [tilespmem:s18+$0xFFFFFFF0]  }
0x111: {  	s21 =	sadd.s32 $0x3, s17;
	v4 =	vadd.s32 v57, v2;
	v7 =	vld [tilespmem:s18+$0x0]  }
0x112: {  	v59 =	vmov s21  }
0x113: {  	v8 =	vmul.u32 $0x500, v59;
	_ =	sdelay $0x1  }
0x114: {  	v60 =	vbroadcast v8, $0x0;
	[tilespmem:v58+s7+$0x0] =	vst.idx.msk $0xffff, v5  }
0x115: {  	[tilespmem:v4+s7+$0x0] =	vst.idx.msk $0xffff, v7  }
0x116: {  	v61 =	vadd.s32 v60, v3;
	v4 =	vld [tilespmem:s18+$0x10]  }
0x117: {  	s22 =	sadd.s32 $0x4, s17;
	v5 =	vadd.s32 v60, v2;
	v7 =	vld [tilespmem:s18+$0x20]  }
0x118: {  	v62 =	vmov s22  }
0x119: {  	v8 =	vmul.u32 $0x500, v62;
	_ =	sdelay $0x1  }
0x11a: {  	v63 =	vbroadcast v8, $0x0;
	[tilespmem:v61+s7+$0x0] =	vst.idx.msk $0xffff, v4  }
0x11b: {  	[tilespmem:v5+s7+$0x0] =	vst.idx.msk $0xffff, v7  }
0x11c: {  	s16 =	sadd.s32 $0x1, s16;
	v3 =	vadd.s32 v63, v3;
	v5 =	vld [tilespmem:s18+$0x30]  }
0x11d: {  	p0 =	sne.s32 s16, $0x20;
	v2 =	vadd.s32 v63, v2;
	v6 =	vld [tilespmem:s18+$0x40]  }
.Ltmp5:
0x11e: {  	_ = 	snop;
	(pc) =	sbr.rel @p0 .LBB2_3-.Ltmp5, $3  }
0x11f: {  	_ =	sdelay $0x1  }
0x120: {  	[tilespmem:v3+s7+$0x0] =	vst.idx.msk $0xffff, v5  }
0x121: {  	s15 =	sadd.s32 $0x640, s15;
	[tilespmem:v2+s7+$0x0] =	vst.idx.msk $0xffff, v6  }
0x122: {  	s14 =	sshll.u32 s13, $0x5  }
0x123: {  	s15 =	sadd.s32 s4, s14  }
0x124: {  	s15 =	sshll.u32 s15, $0x3  }
0x125: {  	s16 =	sand.u32 $0x60, s14;
	s15 =	sand.u32 $0x1FC00, s15  }
0x126: {  	s15 =	sor.u32 s16, s15  }
0x127: {  	s15 =	sshrl.u32 s15, $0x3  }
0x128: {  	s17 =	simm.s32 $0xCF00;
	s16 =	simm.s32 $0x0;
	s18 =	sadd.s32 s2, s15  }
0x129: {  	[hbm4b:s18+s16] =	stream.linear.scatter [tilespmem:s17], [sflag:$0x2], $0x20, $0x38;
	[tilespmem:$0x1C900] =	vst v63  }
0x12a: {  	s20 =	simm.s32 $0xCF28;
	s19 =	sadd.s32 $0x10, s18  }
0x12b: {  	[hbm4b:s19+s16] =	stream.linear.scatter [tilespmem:s20], [sflag:$0x2], $0x20, $0x38;
	[tilespmem:$0x1C900] =	vst v63  }
0x12c: {  	s21 =	simm.s32 $0xCF50;
	s22 =	sadd.s32 $0x20, s18  }
0x12d: {  	[hbm4b:s22+s16] =	stream.linear.scatter [tilespmem:s21], [sflag:$0x2], $0x20, $0x38;
	[tilespmem:$0x1C900] =	vst v63  }
0x12e: {  	s19 =	simm.s32 $0xCF78;
	s20 =	sadd.s32 $0x30, s18  }
0x12f: {  	[hbm4b:s20+s16] =	stream.linear.scatter [tilespmem:s19], [sflag:$0x2], $0x20, $0x38;
	[tilespmem:$0x1C900] =	vst v63  }
0x130: {  	s21 =	simm.s32 $0xCFA0;
	s22 =	sadd.s32 $0x40, s18  }
0x131: {  	[hbm4b:s22+s16] =	stream.linear.scatter [tilespmem:s21], [sflag:$0x2], $0x20, $0x38;
	[tilespmem:$0x1C900] =	vst v63  }
0x132: {  	s17 =	simm.s32 $0x140;
	s19 =	simm.s32 $0xCFC8;
	s20 =	sadd.s32 $0x50, s18  }
0x133: {  	[hbm4b:s20+s16] =	stream.linear.scatter [tilespmem:s19], [sflag:$0x2], $0x20, $0x38;
	[tilespmem:$0x1C900] =	vst v63  }
0x134: {  	s21 =	simm.s32 $0xCFF0;
	s22 =	sadd.s32 $0x60, s18;
	s19 =	simm.s32 $0xA00  }
0x135: {  	[hbm4b:s22+s16] =	stream.linear.scatter [tilespmem:s21], [sflag:$0x2], $0x20, $0x38;
	[tilespmem:$0x1C900] =	vst v63  }
0x136: {  	s20 =	simm.s32 $0xD018;
	s21 =	sadd.s32 $0x70, s18;
	s18 =	sadd.s32 $0x4000, s18  }
.LBB2_7:
0x137: {  	[hbm4b:s21+s16] =	stream.linear.scatter [tilespmem:s20], [sflag:$0x2], $0x20, $0x38;
	[tilespmem:$0x1C900] =	vst v63  }
0x138: {  	s20 =	smov.u32 s17;
	s17 =	smov.u32 s19  }
0x139: {  	s22 =	sadd.s32 $0x500, s19;
	s17 =	sshra.s32 s17, $0x2;
	s21 =	sadd.s32 $0xCF00, s20  }
0x13a: {  	[hbm4b:s18+s16] =	stream.linear.scatter [tilespmem:s21], [sflag:$0x2], $0x20, $0x38;
	[tilespmem:$0x1C900] =	vst v63  }
0x13b: {  	p0 =	sne.s32 s19, $0x1EF00;
	s19 =	sadd.s32 $0xCF28, s20;
	s21 =	sadd.s32 $0x10, s18  }
0x13c: {  	[hbm4b:s21+s16] =	stream.linear.scatter [tilespmem:s19], [sflag:$0x2], $0x20, $0x38;
	[tilespmem:$0x1C900] =	vst v63  }
0x13d: {  	s19 =	sadd.s32 $0xCF50, s20;
	s21 =	sadd.s32 $0x20, s18  }
0x13e: {  	[hbm4b:s21+s16] =	stream.linear.scatter [tilespmem:s19], [sflag:$0x2], $0x20, $0x38;
	[tilespmem:$0x1C900] =	vst v63  }
0x13f: {  	s19 =	sadd.s32 $0xCF78, s20;
	s21 =	sadd.s32 $0x30, s18  }
0x140: {  	[hbm4b:s21+s16] =	stream.linear.scatter [tilespmem:s19], [sflag:$0x2], $0x20, $0x38;
	[tilespmem:$0x1C900] =	vst v63  }
0x141: {  	s19 =	sadd.s32 $0xCFA0, s20;
	s21 =	sadd.s32 $0x40, s18  }
0x142: {  	[hbm4b:s21+s16] =	stream.linear.scatter [tilespmem:s19], [sflag:$0x2], $0x20, $0x38;
	[tilespmem:$0x1C900] =	vst v63  }
.Ltmp6:
0x143: {  	s19 =	sadd.s32 $0xCFC8, s20;
	s21 =	sadd.s32 $0x50, s18;
	(pc) =	sbr.rel @p0 .LBB2_7-.Ltmp6, $4  }
0x144: {  	[hbm4b:s21+s16] =	stream.linear.scatter [tilespmem:s19], [sflag:$0x2], $0x20, $0x38;
	[tilespmem:$0x1C900] =	vst v63  }
0x145: {  	s19 =	sadd.s32 $0xCFF0, s20;
	s21 =	sadd.s32 $0x60, s18;
	s20 =	sadd.s32 $0xD018, s20  }
0x146: {  	[hbm4b:s21+s16] =	stream.linear.scatter [tilespmem:s19], [sflag:$0x2], $0x20, $0x38;
	[tilespmem:$0x1C900] =	vst v63  }
0x147: {  	s21 =	sadd.s32 $0x70, s18;
	s18 =	sadd.s32 $0x4000, s18;
	s19 =	smov.u32 s22  }
0x148: {  	[hbm4b:s21+s16] =	stream.linear.scatter [tilespmem:s20], [sflag:$0x2], $0x20, $0x38;
	[tilespmem:$0x1C900] =	vst v63  }
0x149: {  	s19 =	sadd.s32 $0xCF00, s17  }
0x14a: {  	[hbm4b:s18+s16] =	stream.linear.scatter [tilespmem:s19], [sflag:$0x2], $0x20, $0x38;
	[tilespmem:$0x1C900] =	vst v63  }
0x14b: {  	s21 =	sadd.s32 $0xCF28, s17;
	s22 =	sadd.s32 $0x10, s18  }
0x14c: {  	[hbm4b:s22+s16] =	stream.linear.scatter [tilespmem:s21], [sflag:$0x2], $0x20, $0x38;
	[tilespmem:$0x1C900] =	vst v63  }
0x14d: {  	s21 =	sadd.s32 $0xCF50, s17;
	s22 =	sadd.s32 $0x20, s18  }
0x14e: {  	[hbm4b:s22+s16] =	stream.linear.scatter [tilespmem:s21], [sflag:$0x2], $0x20, $0x38;
	[tilespmem:$0x1C900] =	vst v63  }
0x14f: {  	s21 =	sadd.s32 $0xCF78, s17;
	s22 =	sadd.s32 $0x30, s18  }
0x150: {  	[hbm4b:s22+s16] =	stream.linear.scatter [tilespmem:s21], [sflag:$0x2], $0x20, $0x38;
	[tilespmem:$0x1C900] =	vst v63  }
0x151: {  	s21 =	sadd.s32 $0xCFA0, s17;
	s22 =	sadd.s32 $0x40, s18  }
0x152: {  	[hbm4b:s22+s16] =	stream.linear.scatter [tilespmem:s21], [sflag:$0x2], $0x20, $0x38;
	[tilespmem:$0x1C900] =	vst v63  }
0x153: {  	s21 =	sadd.s32 $0xCFC8, s17;
	s22 =	sadd.s32 $0x50, s18  }
0x154: {  	[hbm4b:s22+s16] =	stream.linear.scatter [tilespmem:s21], [sflag:$0x2], $0x20, $0x38;
	[tilespmem:$0x1C900] =	vst v63  }
0x155: {  	s21 =	sadd.s32 $0xCFF0, s17;
	s22 =	sadd.s32 $0x60, s18  }
0x156: {  	[hbm4b:s22+s16] =	stream.linear.scatter [tilespmem:s21], [sflag:$0x2], $0x20, $0x38;
	[tilespmem:$0x1C900] =	vst v63  }
0x157: {  	s20 =	simm.s32 $0xAB0;
	s21 =	sadd.s32 $0xD018, s17;
	s22 =	sadd.s32 $0x70, s18  }
0x158: {  	[hbm4b:s22+s16] =	stream.linear.scatter [tilespmem:s21], [sflag:$0x2], $0x20, $0x38;
	[tilespmem:$0x1C900] =	vst v63  }
.LBB2_9:
0x159: {  	s17 =	simm.s32 $0x19  }
0x15a: {  	v2 =	vmov s17  }
0x15b: {  	v2 =	vmul.u32 $0x500, v2  }
0x15c: {  	v3 =	vmov s16  }
0x15d: {  	v4 =	vand.u32 $0x1F, v3;
	v5 =	vbroadcast v2, $0x0  }
0x15e: {  	v3 =	vadd.s32 v0, v4  }
0x15f: {  	v2 =	vadd.s32 v1, v4;
	v4 =	vld [tilespmem:s20+$0xFFFFFF70];
	v6 =	vadd.s32 v5, v3  }
0x160: {  	v7 =	vld [tilespmem:s20+$0xFFFFFF80];
	s22 =	simm.s32 $0x1A;
	v5 =	vadd.s32 v5, v2  }
0x161: {  	v8 =	vmov s22  }
0x162: {  	v8 =	vmul.u32 $0x500, v8;
	_ =	sdelay $0x1  }
0x163: {  	[tilespmem:v6+s7+$0x0] =	vst.idx.msk $0xffff, v4;
	v4 =	vbroadcast v8, $0x0  }
0x164: {  	[tilespmem:v5+s7+$0x0] =	vst.idx.msk $0xffff, v7  }
0x165: {  	v5 =	vld [tilespmem:s20+$0xFFFFFF90];
	v6 =	vadd.s32 v4, v3  }
0x166: {  	s18 =	simm.s32 $0x1B;
	v7 =	vld [tilespmem:s20+$0xFFFFFFA0];
	v4 =	vadd.s32 v4, v2  }
0x167: {  	v8 =	vmov s18  }
0x168: {  	v8 =	vmul.u32 $0x500, v8;
	_ =	sdelay $0x1  }
0x169: {  	[tilespmem:v6+s7+$0x0] =	vst.idx.msk $0xffff, v5;
	v5 =	vbroadcast v8, $0x0  }
0x16a: {  	[tilespmem:v4+s7+$0x0] =	vst.idx.msk $0xffff, v7  }
0x16b: {  	v4 =	vld [tilespmem:s20+$0xFFFFFFB0];
	v6 =	vadd.s32 v5, v3  }
0x16c: {  	s19 =	simm.s32 $0x1C;
	v7 =	vld [tilespmem:s20+$0xFFFFFFC0];
	v5 =	vadd.s32 v5, v2  }
0x16d: {  	v8 =	vmov s19  }
0x16e: {  	v8 =	vmul.u32 $0x500, v8;
	_ =	sdelay $0x1  }
0x16f: {  	[tilespmem:v6+s7+$0x0] =	vst.idx.msk $0xffff, v4;
	v4 =	vbroadcast v8, $0x0  }
0x170: {  	[tilespmem:v5+s7+$0x0] =	vst.idx.msk $0xffff, v7  }
0x171: {  	v5 =	vld [tilespmem:s20+$0xFFFFFFD0];
	v6 =	vadd.s32 v4, v3  }
0x172: {  	s21 =	simm.s32 $0x1D;
	v7 =	vld [tilespmem:s20+$0xFFFFFFE0];
	v4 =	vadd.s32 v4, v2  }
0x173: {  	v8 =	vmov s21  }
0x174: {  	v8 =	vmul.u32 $0x500, v8;
	_ =	sdelay $0x1  }
0x175: {  	[tilespmem:v6+s7+$0x0] =	vst.idx.msk $0xffff, v5;
	v6 =	vbroadcast v8, $0x0  }
0x176: {  	[tilespmem:v4+s7+$0x0] =	vst.idx.msk $0xffff, v7  }
0x177: {  	v7 =	vld [tilespmem:s20+$0xFFFFFFF0];
	v8 =	vadd.s32 v6, v3  }
0x178: {  	s22 =	simm.s32 $0x1E;
	v5 =	vld [tilespmem:s20+$0x0];
	v6 =	vadd.s32 v6, v2  }
0x179: {  	v4 =	vmov s22  }
0x17a: {  	v4 =	vmul.u32 $0x500, v4;
	_ =	sdelay $0x1  }
0x17b: {  	s17 =	smov.u32 s20;
	s18 =	simm.s32 $0x0;
	s19 =	simm.s32 $0x5;
	v4 =	vbroadcast v4, $0x0;
	[tilespmem:v8+s7+$0x0] =	vst.idx.msk $0xffff, v7  }
.LBB2_10:
0x17c: {  	[tilespmem:v6+s7+$0x0] =	vst.idx.msk $0xffff, v5;
	s17 =	sadd.s32 $0xA0, s17;
	s21 =	smov.u32 s19;
	s19 =	sadd.s32 $0x5, s19  }
0x17d: {  	p0 =	slt.u32 s19, $0x14;
	v5 =	vld [tilespmem:s17+$0xFFFFFF70];
	v6 =	vadd.s32 v4, v3  }
0x17e: {  	s22 =	sadd.s32 $0x1F, s18;
	v4 =	vadd.s32 v4, v2;
	v7 =	vld [tilespmem:s17+$0xFFFFFF80]  }
0x17f: {  	v8 =	vmov s22  }
0x180: {  	v8 =	vmul.u32 $0x500, v8;
	_ =	sdelay $0x1  }
0x181: {  	[tilespmem:v6+s7+$0x0] =	vst.idx.msk $0xffff, v5;
	v5 =	vbroadcast v8, $0x0  }
0x182: {  	[tilespmem:v4+s7+$0x0] =	vst.idx.msk $0xffff, v7  }
0x183: {  	v4 =	vld [tilespmem:s17+$0xFFFFFF90];
	v6 =	vadd.s32 v5, v3  }
0x184: {  	s22 =	sadd.s32 $0x20, s18;
	v5 =	vadd.s32 v5, v2;
	v7 =	vld [tilespmem:s17+$0xFFFFFFA0]  }
0x185: {  	v8 =	vmov s22  }
0x186: {  	v8 =	vmul.u32 $0x500, v8;
	_ =	sdelay $0x1  }
0x187: {  	[tilespmem:v6+s7+$0x0] =	vst.idx.msk $0xffff, v4;
	v4 =	vbroadcast v8, $0x0  }
0x188: {  	[tilespmem:v5+s7+$0x0] =	vst.idx.msk $0xffff, v7  }
0x189: {  	v5 =	vld [tilespmem:s17+$0xFFFFFFB0];
	v6 =	vadd.s32 v4, v3  }
0x18a: {  	s22 =	sadd.s32 $0x21, s18;
	v4 =	vadd.s32 v4, v2;
	v7 =	vld [tilespmem:s17+$0xFFFFFFC0]  }
0x18b: {  	v8 =	vmov s22  }
0x18c: {  	v8 =	vmul.u32 $0x500, v8;
	_ =	sdelay $0x1  }
0x18d: {  	[tilespmem:v6+s7+$0x0] =	vst.idx.msk $0xffff, v5;
	v5 =	vbroadcast v8, $0x0  }
0x18e: {  	[tilespmem:v4+s7+$0x0] =	vst.idx.msk $0xffff, v7  }
0x18f: {  	v4 =	vld [tilespmem:s17+$0xFFFFFFD0];
	v6 =	vadd.s32 v5, v3  }
0x190: {  	s22 =	sadd.s32 $0x22, s18;
	s18 =	smov.u32 s21;
	v5 =	vadd.s32 v5, v2;
	v7 =	vld [tilespmem:s17+$0xFFFFFFE0]  }
0x191: {  	v8 =	vmov s22  }
0x192: {  	v8 =	vmul.u32 $0x500, v8;
	_ =	sdelay $0x1  }
0x193: {  	[tilespmem:v6+s7+$0x0] =	vst.idx.msk $0xffff, v4;
	v4 =	vbroadcast v8, $0x0  }
0x194: {  	[tilespmem:v5+s7+$0x0] =	vst.idx.msk $0xffff, v7  }
0x195: {  	v7 =	vld [tilespmem:s17+$0xFFFFFFF0];
	v8 =	vadd.s32 v4, v3  }
.Ltmp7:
0x196: {  	s21 =	sadd.s32 $0x1E, s18;
	v6 =	vadd.s32 v4, v2;
	v5 =	vld [tilespmem:s17+$0x0];
	(pc) =	sbr.rel @p0 .LBB2_10-.Ltmp7, $3  }
0x197: {  	v4 =	vmov s21  }
0x198: {  	v4 =	vmul.u32 $0x500, v4;
	_ =	sdelay $0x1  }
0x199: {  	v4 =	vbroadcast v4, $0x0;
	[tilespmem:v8+s7+$0x0] =	vst.idx.msk $0xffff, v7  }
0x19a: {  	_ =	sdelay $0x3  }
0x19b: {  	[tilespmem:v6+s7+$0x0] =	vst.idx.msk $0xffff, v5;
	s17 =	sadd.s32 $0xA0, s17  }
0x19c: {  	v5 =	vld [tilespmem:s17+$0xFFFFFF70];
	v52 =	vadd.s32 v4, v3  }
0x19d: {  	s19 =	sadd.s32 $0x1F, s18;
	v7 =	vld [tilespmem:s17+$0xFFFFFF80];
	v53 =	vadd.s32 v4, v2  }
0x19e: {  	v8 =	vmov s19  }
0x19f: {  	v8 =	vmul.u32 $0x500, v8;
	_ =	sdelay $0x1  }
0x1a0: {  	v54 =	vbroadcast v8, $0x0;
	[tilespmem:v52+s7+$0x0] =	vst.idx.msk $0xffff, v5  }
0x1a1: {  	[tilespmem:v53+s7+$0x0] =	vst.idx.msk $0xffff, v7  }
0x1a2: {  	v55 =	vadd.s32 v54, v3;
	v4 =	vld [tilespmem:s17+$0xFFFFFF90]  }
0x1a3: {  	s22 =	sadd.s32 $0x20, s18;
	v5 =	vadd.s32 v54, v2;
	v7 =	vld [tilespmem:s17+$0xFFFFFFA0]  }
0x1a4: {  	v56 =	vmov s22  }
0x1a5: {  	v8 =	vmul.u32 $0x500, v56;
	_ =	sdelay $0x1  }
0x1a6: {  	v57 =	vbroadcast v8, $0x0;
	[tilespmem:v55+s7+$0x0] =	vst.idx.msk $0xffff, v4  }
0x1a7: {  	[tilespmem:v5+s7+$0x0] =	vst.idx.msk $0xffff, v7  }
0x1a8: {  	v58 =	vadd.s32 v57, v3;
	v5 =	vld [tilespmem:s17+$0xFFFFFFB0]  }
0x1a9: {  	s21 =	sadd.s32 $0x21, s18;
	v4 =	vadd.s32 v57, v2;
	v7 =	vld [tilespmem:s17+$0xFFFFFFC0]  }
0x1aa: {  	v59 =	vmov s21  }
0x1ab: {  	v8 =	vmul.u32 $0x500, v59;
	_ =	sdelay $0x1  }
0x1ac: {  	v60 =	vbroadcast v8, $0x0;
	[tilespmem:v58+s7+$0x0] =	vst.idx.msk $0xffff, v5  }
0x1ad: {  	[tilespmem:v4+s7+$0x0] =	vst.idx.msk $0xffff, v7  }
0x1ae: {  	v61 =	vadd.s32 v60, v3;
	v4 =	vld [tilespmem:s17+$0xFFFFFFD0]  }
0x1af: {  	s22 =	sadd.s32 $0x22, s18;
	v5 =	vadd.s32 v60, v2;
	v7 =	vld [tilespmem:s17+$0xFFFFFFE0]  }
0x1b0: {  	v62 =	vmov s22  }
0x1b1: {  	v8 =	vmul.u32 $0x500, v62;
	_ =	sdelay $0x1  }
0x1b2: {  	v63 =	vbroadcast v8, $0x0;
	[tilespmem:v61+s7+$0x0] =	vst.idx.msk $0xffff, v4  }
0x1b3: {  	[tilespmem:v5+s7+$0x0] =	vst.idx.msk $0xffff, v7  }
0x1b4: {  	s16 =	sadd.s32 $0x1, s16;
	v3 =	vadd.s32 v63, v3;
	v5 =	vld [tilespmem:s17+$0xFFFFFFF0]  }
0x1b5: {  	p0 =	sne.s32 s16, $0x20;
	v2 =	vadd.s32 v63, v2;
	v6 =	vld [tilespmem:s17+$0x0]  }
.Ltmp8:
0x1b6: {  	_ = 	snop;
	(pc) =	sbr.rel @p0 .LBB2_9-.Ltmp8, $3  }
0x1b7: {  	_ =	sdelay $0x1  }
0x1b8: {  	[tilespmem:v3+s7+$0x0] =	vst.idx.msk $0xffff, v5  }
0x1b9: {  	s20 =	sadd.s32 $0x640, s20;
	[tilespmem:v2+s7+$0x0] =	vst.idx.msk $0xffff, v6  }
0x1ba: {  	s16 =	sadd.s32 s15, s8;
	s17 =	simm.s32 $0x14C00  }
0x1bb: {  	[hbm4b:s16+s3] =	stream.linear.scatter [tilespmem:s17], [sflag:$0x2], $0x20, $0x38;
	[tilespmem:$0x1C900] =	vst v63  }
0x1bc: {  	s18 =	simm.s32 $0x14C28;
	s17 =	sadd.s32 $0x10, s16  }
0x1bd: {  	[hbm4b:s17+s3] =	stream.linear.scatter [tilespmem:s18], [sflag:$0x2], $0x20, $0x38;
	[tilespmem:$0x1C900] =	vst v63  }
0x1be: {  	s19 =	simm.s32 $0x14C50;
	s21 =	simm.s32 $0x14C78;
	s20 =	sadd.s32 $0x20, s16  }
0x1bf: {  	[hbm4b:s20+s3] =	stream.linear.scatter [tilespmem:s19], [sflag:$0x2], $0x20, $0x38;
	[tilespmem:$0x1C900] =	vst v63  }
0x1c0: {  	s15 =	simm.s32 $0x140;
	s22 =	sadd.s32 $0x30, s16;
	s17 =	simm.s32 $0x14CA0  }
0x1c1: {  	[hbm4b:s22+s3] =	stream.linear.scatter [tilespmem:s21], [sflag:$0x2], $0x20, $0x38;
	[tilespmem:$0x1C900] =	vst v63  }
0x1c2: {  	s18 =	sadd.s32 $0x40, s16;
	s19 =	simm.s32 $0x14CC8;
	s20 =	sadd.s32 $0x50, s16  }
0x1c3: {  	[hbm4b:s18+s3] =	stream.linear.scatter [tilespmem:s17], [sflag:$0x2], $0x20, $0x38;
	[tilespmem:$0x1C900] =	vst v63  }
0x1c4: {  	s21 =	simm.s32 $0x14CF0;
	s22 =	sadd.s32 $0x60, s16;
	s17 =	simm.s32 $0xA00  }
0x1c5: {  	[hbm4b:s20+s3] =	stream.linear.scatter [tilespmem:s19], [sflag:$0x2], $0x20, $0x38;
	[tilespmem:$0x1C900] =	vst v63  }
0x1c6: {  	s18 =	simm.s32 $0x14D18;
	s19 =	sadd.s32 $0x70, s16;
	s16 =	sadd.s32 $0x4000, s16  }
0x1c7: {  	[hbm4b:s22+s3] =	stream.linear.scatter [tilespmem:s21], [sflag:$0x2], $0x20, $0x38;
	[tilespmem:$0x1C900] =	vst v63  }
.LBB2_13:
0x1c8: {  	[hbm4b:s19+s3] =	stream.linear.scatter [tilespmem:s18], [sflag:$0x2], $0x20, $0x38;
	[tilespmem:$0x1C900] =	vst v63  }
0x1c9: {  	s18 =	smov.u32 s15;
	s15 =	smov.u32 s17  }
0x1ca: {  	s20 =	sadd.s32 $0x500, s17;
	s15 =	sshra.s32 s15, $0x2;
	s19 =	sadd.s32 $0x14C00, s18  }
0x1cb: {  	[hbm4b:s16+s3] =	stream.linear.scatter [tilespmem:s19], [sflag:$0x2], $0x20, $0x38;
	[tilespmem:$0x1C900] =	vst v63  }
0x1cc: {  	p0 =	sne.s32 s17, $0x1EF00;
	s17 =	sadd.s32 $0x14C28, s18;
	s19 =	sadd.s32 $0x10, s16  }
0x1cd: {  	[hbm4b:s19+s3] =	stream.linear.scatter [tilespmem:s17], [sflag:$0x2], $0x20, $0x38;
	[tilespmem:$0x1C900] =	vst v63  }
0x1ce: {  	s17 =	sadd.s32 $0x14C50, s18;
	s19 =	sadd.s32 $0x20, s16  }
0x1cf: {  	[hbm4b:s19+s3] =	stream.linear.scatter [tilespmem:s17], [sflag:$0x2], $0x20, $0x38;
	[tilespmem:$0x1C900] =	vst v63  }
0x1d0: {  	s17 =	sadd.s32 $0x14C78, s18;
	s19 =	sadd.s32 $0x30, s16  }
0x1d1: {  	[hbm4b:s19+s3] =	stream.linear.scatter [tilespmem:s17], [sflag:$0x2], $0x20, $0x38;
	[tilespmem:$0x1C900] =	vst v63  }
0x1d2: {  	s17 =	sadd.s32 $0x14CA0, s18;
	s19 =	sadd.s32 $0x40, s16  }
0x1d3: {  	[hbm4b:s19+s3] =	stream.linear.scatter [tilespmem:s17], [sflag:$0x2], $0x20, $0x38;
	[tilespmem:$0x1C900] =	vst v63  }
.Ltmp9:
0x1d4: {  	s17 =	sadd.s32 $0x14CC8, s18;
	s19 =	sadd.s32 $0x50, s16;
	(pc) =	sbr.rel @p0 .LBB2_13-.Ltmp9, $4  }
0x1d5: {  	[hbm4b:s19+s3] =	stream.linear.scatter [tilespmem:s17], [sflag:$0x2], $0x20, $0x38;
	[tilespmem:$0x1C900] =	vst v63  }
0x1d6: {  	s17 =	sadd.s32 $0x14CF0, s18;
	s19 =	sadd.s32 $0x60, s16;
	s18 =	sadd.s32 $0x14D18, s18  }
0x1d7: {  	[hbm4b:s19+s3] =	stream.linear.scatter [tilespmem:s17], [sflag:$0x2], $0x20, $0x38;
	[tilespmem:$0x1C900] =	vst v63  }
0x1d8: {  	s19 =	sadd.s32 $0x70, s16;
	s16 =	sadd.s32 $0x4000, s16;
	s17 =	smov.u32 s20  }
0x1d9: {  	[hbm4b:s19+s3] =	stream.linear.scatter [tilespmem:s18], [sflag:$0x2], $0x20, $0x38;
	[tilespmem:$0x1C900] =	vst v63  }
0x1da: {  	s17 =	sadd.s32 $0x14C00, s15  }
0x1db: {  	[hbm4b:s16+s3] =	stream.linear.scatter [tilespmem:s17], [sflag:$0x2], $0x20, $0x38;
	[tilespmem:$0x1C900] =	vst v63  }
0x1dc: {  	s21 =	sadd.s32 $0x14C28, s15;
	s22 =	sadd.s32 $0x10, s16  }
0x1dd: {  	[hbm4b:s22+s3] =	stream.linear.scatter [tilespmem:s21], [sflag:$0x2], $0x20, $0x38;
	[tilespmem:$0x1C900] =	vst v63  }
0x1de: {  	s19 =	sadd.s32 $0x14C50, s15;
	s20 =	sadd.s32 $0x20, s16  }
0x1df: {  	[hbm4b:s20+s3] =	stream.linear.scatter [tilespmem:s19], [sflag:$0x2], $0x20, $0x38;
	[tilespmem:$0x1C900] =	vst v63  }
0x1e0: {  	s21 =	sadd.s32 $0x14C78, s15;
	s22 =	sadd.s32 $0x30, s16  }
0x1e1: {  	[hbm4b:s22+s3] =	stream.linear.scatter [tilespmem:s21], [sflag:$0x2], $0x20, $0x38;
	[tilespmem:$0x1C900] =	vst v63  }
0x1e2: {  	s19 =	sadd.s32 $0x14CA0, s15;
	s20 =	sadd.s32 $0x40, s16  }
0x1e3: {  	[hbm4b:s20+s3] =	stream.linear.scatter [tilespmem:s19], [sflag:$0x2], $0x20, $0x38;
	[tilespmem:$0x1C900] =	vst v63  }
0x1e4: {  	p0 =	seq.s32 s13, $0xF;
	s21 =	sadd.s32 $0x14CC8, s15;
	s22 =	sadd.s32 $0x50, s16  }
0x1e5: {  	[hbm4b:s22+s3] =	stream.linear.scatter [tilespmem:s21], [sflag:$0x2], $0x20, $0x38;
	[tilespmem:$0x1C900] =	vst v63  }
.Ltmp10:
0x1e6: {  	_ = 	snop;
	(pc) =	sbr.rel @p0 .LBB2_16-.Ltmp10, $4  }
0x1e7: {  	s19 =	sadd.s32 $0x14CF0, s15;
	s20 =	sadd.s32 $0x60, s16  }
0x1e8: {  	[hbm4b:s20+s3] =	stream.linear.scatter [tilespmem:s19], [sflag:$0x2], $0x20, $0x38;
	[tilespmem:$0x1C900] =	vst v63  }
0x1e9: {  	s21 =	sadd.s32 $0x14D18, s15;
	s22 =	sadd.s32 $0x70, s16  }
0x1ea: {  	[hbm4b:s22+s3] =	stream.linear.scatter [tilespmem:s21], [sflag:$0x2], $0x20, $0x38;
	[tilespmem:$0x1C900] =	vst v63  }
0x1eb: {  	s14 =	sadd.s32 s14, s9  }
0x1ec: {  	s14 =	smul.u32 $0x7, s14;
	_ =	sdelay $0x1  }
0x1ed: {  	s14 =	sadd.s32 s5, s14  }
0x1ee: {  	[tilespmem:s3], [sflag:$0x3] =	stream.linear.gather [hbm4b:s14+s3], $0x700, $0x38;
	[tilespmem:$0x1C900] =	vst v63  }
0x1ef: {  	_ =	swait.ge [sflag:s11], $0x700  }
0x1f0: {  	[sflag:s11] =	ssyncset.done $0x0  }
0x1f1: {  	s17 =	simm.s32 $0x700;
	[sflag:s11] =	ssyncadd.s32 $0xFFFFF900  }
0x1f2: {  	[tilespmem:s17], [sflag:$0x1] =	stream.indirect.gather [hbm4b:s6+s12], $0x20, s3, s12, $0xb8;
	[tilespmem:$0x1C900] =	vst v63  }
0x1f3: {  	s18 =	simm.s32 $0x38;
	s15 =	simm.s32 $0xD40  }
0x1f4: {  	[tilespmem:s15], [sflag:$0x1] =	stream.indirect.gather [hbm4b:s6+s12], $0x20, s18, s12, $0xb8;
	[tilespmem:$0x1C900] =	vst v63  }
0x1f5: {  	s19 =	simm.s32 $0x70;
	s20 =	simm.s32 $0x1380  }
0x1f6: {  	[tilespmem:s20], [sflag:$0x1] =	stream.indirect.gather [hbm4b:s6+s12], $0x20, s19, s12, $0xb8;
	[tilespmem:$0x1C900] =	vst v63  }
0x1f7: {  	s21 =	simm.s32 $0xA8;
	s22 =	simm.s32 $0x19C0  }
0x1f8: {  	[tilespmem:s22], [sflag:$0x1] =	stream.indirect.gather [hbm4b:s6+s12], $0x20, s21, s12, $0xb8;
	[tilespmem:$0x1C900] =	vst v63  }
0x1f9: {  	s16 =	simm.s32 $0x2000;
	s15 =	simm.s32 $0xE0  }
0x1fa: {  	[tilespmem:s16], [sflag:$0x1] =	stream.indirect.gather [hbm4b:s6+s12], $0x20, s15, s12, $0xb8;
	[tilespmem:$0x1C900] =	vst v63  }
0x1fb: {  	s17 =	simm.s32 $0x118;
	s18 =	simm.s32 $0x2640  }
0x1fc: {  	[tilespmem:s18], [sflag:$0x1] =	stream.indirect.gather [hbm4b:s6+s12], $0x20, s17, s12, $0xb8;
	[tilespmem:$0x1C900] =	vst v63  }
0x1fd: {  	s19 =	simm.s32 $0x150;
	s20 =	simm.s32 $0x2C80  }
0x1fe: {  	[tilespmem:s20], [sflag:$0x1] =	stream.indirect.gather [hbm4b:s6+s12], $0x20, s19, s12, $0xb8;
	[tilespmem:$0x1C900] =	vst v63  }
0x1ff: {  	s21 =	simm.s32 $0x188;
	s22 =	simm.s32 $0x32C0  }
0x200: {  	[tilespmem:s22], [sflag:$0x1] =	stream.indirect.gather [hbm4b:s6+s12], $0x20, s21, s12, $0xb8;
	[tilespmem:$0x1C900] =	vst v63  }
0x201: {  	s15 =	simm.s32 $0x1C0;
	s16 =	simm.s32 $0x3900  }
0x202: {  	[tilespmem:s16], [sflag:$0x1] =	stream.indirect.gather [hbm4b:s6+s12], $0x20, s15, s12, $0xb8;
	[tilespmem:$0x1C900] =	vst v63  }
0x203: {  	s17 =	simm.s32 $0x1F8;
	s18 =	simm.s32 $0x3F40  }
0x204: {  	[tilespmem:s18], [sflag:$0x1] =	stream.indirect.gather [hbm4b:s6+s12], $0x20, s17, s12, $0xb8;
	[tilespmem:$0x1C900] =	vst v63  }
0x205: {  	s19 =	simm.s32 $0x230;
	s20 =	simm.s32 $0x4580  }
0x206: {  	[tilespmem:s20], [sflag:$0x1] =	stream.indirect.gather [hbm4b:s6+s12], $0x20, s19, s12, $0xb8;
	[tilespmem:$0x1C900] =	vst v63  }
0x207: {  	s21 =	simm.s32 $0x268;
	s22 =	simm.s32 $0x4BC0  }
0x208: {  	[tilespmem:s22], [sflag:$0x1] =	stream.indirect.gather [hbm4b:s6+s12], $0x20, s21, s12, $0xb8;
	[tilespmem:$0x1C900] =	vst v63  }
0x209: {  	s15 =	simm.s32 $0x2A0;
	s16 =	simm.s32 $0x5200  }
0x20a: {  	[tilespmem:s16], [sflag:$0x1] =	stream.indirect.gather [hbm4b:s6+s12], $0x20, s15, s12, $0xb8;
	[tilespmem:$0x1C900] =	vst v63  }
0x20b: {  	s17 =	simm.s32 $0x2D8;
	s18 =	simm.s32 $0x5840  }
0x20c: {  	[tilespmem:s18], [sflag:$0x1] =	stream.indirect.gather [hbm4b:s6+s12], $0x20, s17, s12, $0xb8;
	[tilespmem:$0x1C900] =	vst v63  }
0x20d: {  	s19 =	simm.s32 $0x310;
	s20 =	simm.s32 $0x5E80  }
0x20e: {  	[tilespmem:s20], [sflag:$0x1] =	stream.indirect.gather [hbm4b:s6+s12], $0x20, s19, s12, $0xb8;
	[tilespmem:$0x1C900] =	vst v63  }
0x20f: {  	s21 =	simm.s32 $0x348;
	s22 =	simm.s32 $0x64C0  }
0x210: {  	[tilespmem:s22], [sflag:$0x1] =	stream.indirect.gather [hbm4b:s6+s12], $0x20, s21, s12, $0xb8;
	[tilespmem:$0x1C900] =	vst v63  }
0x211: {  	s15 =	simm.s32 $0x380;
	s16 =	simm.s32 $0x6B00  }
0x212: {  	[tilespmem:s16], [sflag:$0x1] =	stream.indirect.gather [hbm4b:s6+s12], $0x20, s15, s12, $0xb8;
	[tilespmem:$0x1C900] =	vst v63  }
0x213: {  	s17 =	simm.s32 $0x3B8;
	s18 =	simm.s32 $0x7140  }
0x214: {  	[tilespmem:s18], [sflag:$0x1] =	stream.indirect.gather [hbm4b:s6+s12], $0x20, s17, s12, $0xb8;
	[tilespmem:$0x1C900] =	vst v63  }
0x215: {  	s19 =	simm.s32 $0x3F0;
	s20 =	simm.s32 $0x7780  }
0x216: {  	[tilespmem:s20], [sflag:$0x1] =	stream.indirect.gather [hbm4b:s6+s12], $0x20, s19, s12, $0xb8;
	[tilespmem:$0x1C900] =	vst v63  }
0x217: {  	s21 =	simm.s32 $0x428;
	s22 =	simm.s32 $0x7DC0  }
0x218: {  	[tilespmem:s22], [sflag:$0x1] =	stream.indirect.gather [hbm4b:s6+s12], $0x20, s21, s12, $0xb8;
	[tilespmem:$0x1C900] =	vst v63  }
0x219: {  	s15 =	simm.s32 $0x460;
	s16 =	simm.s32 $0x8400  }
0x21a: {  	[tilespmem:s16], [sflag:$0x1] =	stream.indirect.gather [hbm4b:s6+s12], $0x20, s15, s12, $0xb8;
	[tilespmem:$0x1C900] =	vst v63  }
0x21b: {  	s17 =	simm.s32 $0x498;
	s18 =	simm.s32 $0x8A40  }
0x21c: {  	[tilespmem:s18], [sflag:$0x1] =	stream.indirect.gather [hbm4b:s6+s12], $0x20, s17, s12, $0xb8;
	[tilespmem:$0x1C900] =	vst v63  }
0x21d: {  	s19 =	simm.s32 $0x4D0;
	s20 =	simm.s32 $0x9080  }
0x21e: {  	[tilespmem:s20], [sflag:$0x1] =	stream.indirect.gather [hbm4b:s6+s12], $0x20, s19, s12, $0xb8;
	[tilespmem:$0x1C900] =	vst v63  }
0x21f: {  	s21 =	simm.s32 $0x508;
	s22 =	simm.s32 $0x96C0  }
0x220: {  	[tilespmem:s22], [sflag:$0x1] =	stream.indirect.gather [hbm4b:s6+s12], $0x20, s21, s12, $0xb8;
	[tilespmem:$0x1C900] =	vst v63  }
0x221: {  	s16 =	simm.s32 $0x540;
	s17 =	simm.s32 $0x9D00  }
0x222: {  	[tilespmem:s17], [sflag:$0x1] =	stream.indirect.gather [hbm4b:s6+s12], $0x20, s16, s12, $0xb8;
	[tilespmem:$0x1C900] =	vst v63  }
0x223: {  	s18 =	simm.s32 $0x578;
	s19 =	simm.s32 $0xA340  }
0x224: {  	[tilespmem:s19], [sflag:$0x1] =	stream.indirect.gather [hbm4b:s6+s12], $0x20, s18, s12, $0xb8;
	[tilespmem:$0x1C900] =	vst v63  }
0x225: {  	s20 =	simm.s32 $0x5B0;
	s21 =	simm.s32 $0xA980  }
0x226: {  	[tilespmem:s21], [sflag:$0x1] =	stream.indirect.gather [hbm4b:s6+s12], $0x20, s20, s12, $0xb8;
	[tilespmem:$0x1C900] =	vst v63  }
0x227: {  	s22 =	simm.s32 $0x5E8  }
0x228: {  	[tilespmem:s23], [sflag:$0x1] =	stream.indirect.gather [hbm4b:s6+s12], $0x20, s22, s12, $0xb8;
	[tilespmem:$0x1C900] =	vst v63  }
0x229: {  	_ = 	snop  }
0x22a: {  	[tilespmem:s25], [sflag:$0x1] =	stream.indirect.gather [hbm4b:s6+s12], $0x20, s24, s12, $0xb8;
	[tilespmem:$0x1C900] =	vst v63  }
0x22b: {  	_ = 	snop  }
0x22c: {  	[tilespmem:s28], [sflag:$0x1] =	stream.indirect.gather [hbm4b:s6+s12], $0x20, s26, s12, $0xb8;
	[tilespmem:$0x1C900] =	vst v63  }
.Ltmp11:
0x22d: {  	_ = 	snop;
	(pc) =	sbr.rel .LBB2_16-.Ltmp11, $4  }
0x22e: {  	_ = 	snop  }
0x22f: {  	[tilespmem:s30], [sflag:$0x1] =	stream.indirect.gather [hbm4b:s6+s12], $0x20, s29, s12, $0xb8;
	[tilespmem:$0x1C900] =	vst v63  }
0x230: {  	_ = 	snop  }
0x231: {  	[tilespmem:s1], [sflag:$0x1] =	stream.indirect.gather [hbm4b:s6+s12], $0x20, s31, s12, $0xb8;
	[tilespmem:$0x1C900] =	vst v63  }
.LBB2_18:
0x232: {  	_ =	sfence.sel $0x180000  }
0x233: {  	[bflag:$0x0] =	sbarrier.arrive $0xFFFF  }
0x234: {  	_ =	strace $0x90000047  }
0x235: {  	s0 =	stileid.u32;
	[bflag:$0x2] =	sbarrier.arrive $0xFFFF  }
0x236: {  	p0 =	sne.s32 s0, $0x0;
	s0 =	rddreg [dreg:$0x2]  }
0x237: {  	s0 =	sadd.s32 @!p0 $0x100000, s0  }
0x238: {  	[sflag:s0] =	ssyncadd.tile.s32 @!p0 $0x1;
	_ =	shalt  }
.Lfunc_end2:
_tile_overlayer_lowered:
.L_overlay_start_2:
0x239: {  	(tag) =	ssettag $0x2  }
0x23a: {  	s0 =	rddreg [dreg:$0x0];
	s2 =	stileid.u32  }
0x23b: {  	s1 =	rddreg [dreg:$0x1];
	p0 =	sne.s32 s2, $0x0  }
0x23c: {  	s3 =	rddreg [dreg:$0x2];
	[bflag:$0x3] =	sbarrier.arrive $0xFFFF;
	s2 =	simm.s32 @!p0 $0x1C03  }
0x23d: {  	[timem:s3], [sflag:s2] =	dma.local @!p0 [hbm:s0], s1  }
0x23e: {  	s0 =	simm.s32 @!p0 $0x3  }
0x23f: {  	_ =	swait.ge @!p0 [sflag:s0], s1  }
0x240: {  	s1 =	ssub.s32 @!p0 $0x0, s1;
	[sflag:s0] =	ssyncset.done @!p0 $0x0  }
0x241: {  	[sflag:s0] =	ssyncadd.s32 @!p0 s1  }
0x242: {  	[bflag:$0x3] =	sbarrier.arrive $0xFFFF  }
0x243: {  	_ =	shalt  }

</sc_bundles>
